<compile_context>
chip_gen: v7x
topology: tpu7x:2x2x1
jax: 0.10.2.dev20260603
libtpu: 0.0.44.dev20260713+nightly
codegen_flags: <defaults>
</compile_context>

<pallas_src>
import jax
import jax.numpy as jnp
from jax import lax
from jax.experimental import pallas as pl
from jax.experimental.pallas import tpu as pltpu
from jax.experimental.pallas import tpu_sc as plsc

BATCH = 4096
SEQ = 200
EMBED_DIM = 64
VOCAB = 1000000
NUM_WORKERS = 32
NB = BATCH // NUM_WORKERS
NG = NB // 16


def _body(xt_hbm, pairs_hbm, pos_hbm, out_hbm, idx_v, idx2_v, rows_v, out_t, pos_v, si, sg, sw):
    w = lax.axis_index("s") * 2 + lax.axis_index("c")
    col0 = NB * w
    iota = lax.iota(jnp.int32, 16)

    pltpu.sync_copy(pos_hbm, pos_v)

    def fetch_idx(l, b):
        return pltpu.async_copy(xt_hbm.at[l, pl.ds(col0, NB)], idx_v[b], si[b])

    def wait_idx(l, b):
        pltpu.make_async_copy(
            xt_hbm.at[l, pl.ds(col0, NB)], idx_v[b], si[b]
        ).wait()

    def gather(b):
        return pltpu.async_copy(pairs_hbm.at[idx2_v[b]], rows_v[b], sg[b])

    def wait_gather(b):
        pltpu.make_async_copy(pairs_hbm.at[idx2_v[b]], rows_v[b], sg[b]).wait()

    def halve(b):
        for g in range(NG):
            vg = idx_v[b][pl.ds(16 * g, 16)]
            idx2_v[b][pl.ds(16 * g, 16)] = lax.shift_right_logical(vg, 1)

    def write_out(l, b):
        return pltpu.async_copy(
            out_t[b],
            out_hbm.at[pl.ds(l * EMBED_DIM, EMBED_DIM), pl.ds(col0, NB)],
            sw[b],
        )

    def wait_write(l, b):
        pltpu.make_async_copy(
            out_t[b],
            out_hbm.at[pl.ds(l * EMBED_DIM, EMBED_DIM), pl.ds(col0, NB)],
            sw[b],
        ).wait()

    fetch_idx(0, 0).wait()
    halve(0)
    gather(0)
    fetch_idx(1, 1)

    def step(l, b, nb_):
        @pl.when(l + 1 < SEQ)
        def _():
            wait_idx(l + 1, nb_)
            halve(nb_)
            gather(nb_)

        wait_gather(b)

        rowg = [iota + 16 * g for g in range(NG)]
        baseg = [
            (idx_v[b][pl.ds(16 * g, 16)] & 1) * EMBED_DIM for g in range(NG)
        ]

        @pl.when(l + 2 < SEQ)
        def _():
            fetch_idx(l + 2, b)

        @pl.when(l >= 2)
        def _():
            wait_write(l - 2, b)

        lvec = jnp.broadcast_to(l, (16,)).astype(jnp.int32)

        def c_body(c, carry2):
            diag = (c + iota) & 15
            for k in range(EMBED_DIM // 16):
                dvec = 16 * k + diag
                p = plsc.load_gather(pos_v, [lvec, dvec])
                for g in range(NG):
                    v = plsc.load_gather(rows_v[b], [rowg[g], baseg[g] + dvec])
                    plsc.store_scatter(out_t[b], [dvec, rowg[g]], v + p)
            return carry2

        lax.fori_loop(0, 16, c_body, 0)
        write_out(l, b)

    def pair_body(i, carry):
        l = 2 * i
        step(l, 0, 1)
        step(l + 1, 1, 0)
        return carry

    lax.fori_loop(0, SEQ // 2, pair_body, 0)

    wait_write(SEQ - 2, 0)
    wait_write(SEQ - 1, 1)


def _wrapped_body(xt_hbm, pairs_hbm, pos_hbm, out_hbm,
                  idx_v0, idx_v1, idx2_v0, idx2_v1, rows_v0, rows_v1,
                  out_t0, out_t1, pos_v, si0, si1, sg0, sg1, sw0, sw1):
    _body(
        xt_hbm, pairs_hbm, pos_hbm, out_hbm,
        (idx_v0, idx_v1), (idx2_v0, idx2_v1), (rows_v0, rows_v1),
        (out_t0, out_t1), pos_v, (si0, si1), (sg0, sg1), (sw0, sw1),
    )


@jax.jit
def kernel(x, emb_table, pos_table):
    xt = x.T
    pairs = emb_table.reshape(VOCAB // 2, 2 * EMBED_DIM)
    mesh = plsc.VectorSubcoreMesh(core_axis_name="c", subcore_axis_name="s")
    run = pl.kernel(
        _wrapped_body,
        out_type=jax.ShapeDtypeStruct((SEQ * EMBED_DIM, BATCH), jnp.float32),
        mesh=mesh,
        scratch_types=[
            pltpu.VMEM((NB,), jnp.int32),
            pltpu.VMEM((NB,), jnp.int32),
            pltpu.VMEM((NB,), jnp.int32),
            pltpu.VMEM((NB,), jnp.int32),
            pltpu.VMEM((NB, 2 * EMBED_DIM), jnp.float32),
            pltpu.VMEM((NB, 2 * EMBED_DIM), jnp.float32),
            pltpu.VMEM((EMBED_DIM, NB), jnp.float32),
            pltpu.VMEM((EMBED_DIM, NB), jnp.float32),
            pltpu.VMEM((SEQ, EMBED_DIM), jnp.float32),
            pltpu.SemaphoreType.DMA,
            pltpu.SemaphoreType.DMA,
            pltpu.SemaphoreType.DMA,
            pltpu.SemaphoreType.DMA,
            pltpu.SemaphoreType.DMA,
            pltpu.SemaphoreType.DMA,
        ],
        compiler_params=pltpu.CompilerParams(needs_layout_passes=False),
    )
    out2d = run(xt, pairs, pos_table)
    return out2d.reshape(SEQ, EMBED_DIM, BATCH).transpose(2, 0, 1)

# --- scband reference (transcript-rebuilt; emitter-appended) ---
"""Pipeline reference for scband-encoding-7181185319386 (READ-ONLY COPY).

The authoritative reference and input builder live on the scoring server;
editing this copy changes nothing except your own understanding.
"""

import jax, jax.numpy as jnp
import numpy as np

VOCAB = 1000000
MAX_LEN = 200
EMBED_DIM = 64
BATCH = 4096
SEQ = 200


def setup_inputs(seed: int = 0) -> dict:
    key = jax.random.key(seed)
    k1, k2, k3 = jax.random.split(key, 3)
    x = jax.random.randint(k1, (BATCH, SEQ), 0, VOCAB, dtype=jnp.int64 if jax.config.jax_enable_x64 else jnp.int32)
    emb_table = jax.random.normal(k2, (VOCAB, EMBED_DIM), dtype=jnp.float32) * 0.02
    pos_table = jax.random.normal(k3, (MAX_LEN, EMBED_DIM), dtype=jnp.float32) * 0.02
    return {"x": x, "emb_table": emb_table, "pos_table": pos_table}


def reference(x, emb_table, pos_table):
    # embeds = self.embedding(x): token embedding lookup (gather)
    embeds = jnp.take(emb_table, x, axis=0)  # [B, L, D]
    # pos_embeds = self.pos_encoding(x): learned positional embedding indexed by position,
    # broadcast over the batch dimension (standard positional-encoding module semantics)
    L = x.shape[1]
    positions = jnp.arange(L)
    pos_embeds = jnp.take(pos_table, positions, axis=0)[None, :, :]  # [1, L, D]
    return embeds + pos_embeds

if __name__ == "__main__":
    import jax
    _d = setup_inputs()
    print(jax.jit(kernel)(*tuple(_d.values())))

</pallas_src>

<mosaic_0001>
#map = affine_map<(d0, d1) -> (0, 0)>
module attributes {stable_mosaic.version = 14 : i64} {
  func.func @_wrapped_body(%arg0: i32, %arg1: i32, %arg2: memref<200x4096xi32, #tpu.memory_space<hbm>>, %arg3: memref<500000x128xf32, #tpu.memory_space<hbm>>, %arg4: memref<200x64xf32, #tpu.memory_space<hbm>>, %arg5: memref<12800x4096xf32, #tpu.memory_space<hbm>>, %arg6: memref<128xi32, #tpu.memory_space<vmem>>, %arg7: memref<128xi32, #tpu.memory_space<vmem>>, %arg8: memref<128xi32, #tpu.memory_space<vmem>>, %arg9: memref<128xi32, #tpu.memory_space<vmem>>, %arg10: memref<128x128xf32, #tpu.memory_space<vmem>>, %arg11: memref<128x128xf32, #tpu.memory_space<vmem>>, %arg12: memref<64x128xf32, #tpu.memory_space<vmem>>, %arg13: memref<64x128xf32, #tpu.memory_space<vmem>>, %arg14: memref<200x64xf32, #tpu.memory_space<vmem>>, %arg15: memref<!tpu.dma_semaphore, #tpu.memory_space<semaphore_mem>>, %arg16: memref<!tpu.dma_semaphore, #tpu.memory_space<semaphore_mem>>, %arg17: memref<!tpu.dma_semaphore, #tpu.memory_space<semaphore_mem>>, %arg18: memref<!tpu.dma_semaphore, #tpu.memory_space<semaphore_mem>>, %arg19: memref<!tpu.dma_semaphore, #tpu.memory_space<semaphore_mem>>, %arg20: memref<!tpu.dma_semaphore, #tpu.memory_space<semaphore_mem>>) attributes {dimension_semantics = [#tpu.dimension_semantics<core_parallel>, #tpu.dimension_semantics<subcore_parallel>], iteration_bounds = array<i64: 2, 16>, scalar_prefetch = 0 : i64, scratch_operands = 15 : i64, tpu.core_type = #tpu.core_type<sc_vector_subcore>, window_params = [{transform_indices = #map}, {transform_indices = #map}, {transform_indices = #map}, {transform_indices = #map}]} {
    %mul3A = arith.constant 2 : i32
    %mul3A_0 = arith.muli %arg1, %mul3A : i32
    %add3A = arith.addi %mul3A_0, %arg0 : i32
    %mul3A_1 = arith.constant 128 : i32
    %mul3A_2 = arith.muli %mul3A_1, %add3A : i32
    %iota3A = tpu.iota {dimensions = array<i32: 0>} : vector<16xi32>
    "tpu.region"() ({
      %run_scoped3A = tpu.sem_alloc : memref<!tpu.dma_semaphore, #tpu.memory_space<semaphore_mem>>
      tpu.enqueue_dma source(%arg4 : memref<200x64xf32, #tpu.memory_space<hbm>>) target(%arg14 : memref<200x64xf32, #tpu.memory_space<vmem>>) target_semaphore(%run_scoped3A : memref<!tpu.dma_semaphore, #tpu.memory_space<semaphore_mem>>)
      tpu.wait_dma2 semaphore(%run_scoped3A : memref<!tpu.dma_semaphore, #tpu.memory_space<semaphore_mem>>) src(%arg4 : memref<200x64xf32, #tpu.memory_space<hbm>>) dst(%arg14 : memref<200x64xf32, #tpu.memory_space<vmem>>)
      tpu.yield
    }) : () -> ()
    %dma_start3A = arith.constant 0 : i32
    %dma_start3A_3 = tpu.memref_slice %arg2[%dma_start3A, %mul3A_2] : memref<200x4096xi32, #tpu.memory_space<hbm>> -> memref<1x128xi32, #tpu.memory_space<hbm>>
    %dma_start3A_4 = tpu.memref_squeeze %dma_start3A_3 : memref<1x128xi32, #tpu.memory_space<hbm>> -> memref<128xi32, #tpu.memory_space<hbm>>
    %dma_start3A_5 = tpu.memref_slice %arg2[%dma_start3A, %mul3A_2] : memref<200x4096xi32, #tpu.memory_space<hbm>> -> memref<1x128xi32, #tpu.memory_space<hbm>>
    %dma_start3A_6 = tpu.memref_squeeze %dma_start3A_5 : memref<1x128xi32, #tpu.memory_space<hbm>> -> memref<128xi32, #tpu.memory_space<hbm>>
    tpu.enqueue_dma source(%dma_start3A_6 : memref<128xi32, #tpu.memory_space<hbm>>) target(%arg6 : memref<128xi32, #tpu.memory_space<vmem>>) target_semaphore(%arg15 : memref<!tpu.dma_semaphore, #tpu.memory_space<semaphore_mem>>)
    %dma_wait3A = arith.constant 0 : i32
    %dma_wait3A_7 = tpu.memref_slice %arg2[%dma_wait3A, %mul3A_2] : memref<200x4096xi32, #tpu.memory_space<hbm>> -> memref<1x128xi32, #tpu.memory_space<hbm>>
    %dma_wait3A_8 = tpu.memref_squeeze %dma_wait3A_7 : memref<1x128xi32, #tpu.memory_space<hbm>> -> memref<128xi32, #tpu.memory_space<hbm>>
    %dma_wait3A_9 = tpu.memref_slice %arg2[%dma_wait3A, %mul3A_2] : memref<200x4096xi32, #tpu.memory_space<hbm>> -> memref<1x128xi32, #tpu.memory_space<hbm>>
    %dma_wait3A_10 = tpu.memref_squeeze %dma_wait3A_9 : memref<1x128xi32, #tpu.memory_space<hbm>> -> memref<128xi32, #tpu.memory_space<hbm>>
    tpu.wait_dma2 semaphore(%arg15 : memref<!tpu.dma_semaphore, #tpu.memory_space<semaphore_mem>>) src(%dma_wait3A_10 : memref<128xi32, #tpu.memory_space<hbm>>) dst(%arg6 : memref<128xi32, #tpu.memory_space<vmem>>)
    %get3A = arith.constant 0 : index
    %get3A_11 = tpu.vector_load %arg6[%get3A] {strides = array<i32>} : memref<128xi32, #tpu.memory_space<vmem>>, vector<16xi32>,
    %shift_right_logical3A = arith.constant 1 : i32
    %shift_right_logical3A_12 = vector.broadcast %shift_right_logical3A : i32 to vector<16xi32>
    %shift_right_logical3A_13 = arith.shrui %get3A_11, %shift_right_logical3A_12 : vector<16xi32>
    %swap3A = arith.constant 0 : index
    %swap3A_14 = tpu.vector_load %arg8[%swap3A] {strides = array<i32>} : memref<128xi32, #tpu.memory_space<vmem>>, vector<16xi32>,
    tpu.vector_store %arg8[%swap3A], %shift_right_logical3A_13 {strides = array<i32>} : memref<128xi32, #tpu.memory_space<vmem>>, vector<16xi32>,
    %get3A_15 = arith.constant 16 : index
    %get3A_16 = tpu.vector_load %arg6[%get3A_15] {strides = array<i32>} : memref<128xi32, #tpu.memory_space<vmem>>, vector<16xi32>,
    %shift_right_logical3A_17 = arith.constant 1 : i32
    %shift_right_logical3A_18 = vector.broadcast %shift_right_logical3A_17 : i32 to vector<16xi32>
    %shift_right_logical3A_19 = arith.shrui %get3A_16, %shift_right_logical3A_18 : vector<16xi32>
    %swap3A_20 = arith.constant 16 : index
    %swap3A_21 = tpu.vector_load %arg8[%swap3A_20] {strides = array<i32>} : memref<128xi32, #tpu.memory_space<vmem>>, vector<16xi32>,
    tpu.vector_store %arg8[%swap3A_20], %shift_right_logical3A_19 {strides = array<i32>} : memref<128xi32, #tpu.memory_space<vmem>>, vector<16xi32>,
    %get3A_22 = arith.constant 32 : index
    %get3A_23 = tpu.vector_load %arg6[%get3A_22] {strides = array<i32>} : memref<128xi32, #tpu.memory_space<vmem>>, vector<16xi32>,
    %shift_right_logical3A_24 = arith.constant 1 : i32
    %shift_right_logical3A_25 = vector.broadcast %shift_right_logical3A_24 : i32 to vector<16xi32>
    %shift_right_logical3A_26 = arith.shrui %get3A_23, %shift_right_logical3A_25 : vector<16xi32>
    %swap3A_27 = arith.constant 32 : index
    %swap3A_28 = tpu.vector_load %arg8[%swap3A_27] {strides = array<i32>} : memref<128xi32, #tpu.memory_space<vmem>>, vector<16xi32>,
    tpu.vector_store %arg8[%swap3A_27], %shift_right_logical3A_26 {strides = array<i32>} : memref<128xi32, #tpu.memory_space<vmem>>, vector<16xi32>,
    %get3A_29 = arith.constant 48 : index
    %get3A_30 = tpu.vector_load %arg6[%get3A_29] {strides = array<i32>} : memref<128xi32, #tpu.memory_space<vmem>>, vector<16xi32>,
    %shift_right_logical3A_31 = arith.constant 1 : i32
    %shift_right_logical3A_32 = vector.broadcast %shift_right_logical3A_31 : i32 to vector<16xi32>
    %shift_right_logical3A_33 = arith.shrui %get3A_30, %shift_right_logical3A_32 : vector<16xi32>
    %swap3A_34 = arith.constant 48 : index
    %swap3A_35 = tpu.vector_load %arg8[%swap3A_34] {strides = array<i32>} : memref<128xi32, #tpu.memory_space<vmem>>, vector<16xi32>,
    tpu.vector_store %arg8[%swap3A_34], %shift_right_logical3A_33 {strides = array<i32>} : memref<128xi32, #tpu.memory_space<vmem>>, vector<16xi32>,
    %get3A_36 = arith.constant 64 : index
    %get3A_37 = tpu.vector_load %arg6[%get3A_36] {strides = array<i32>} : memref<128xi32, #tpu.memory_space<vmem>>, vector<16xi32>,
    %shift_right_logical3A_38 = arith.constant 1 : i32
    %shift_right_logical3A_39 = vector.broadcast %shift_right_logical3A_38 : i32 to vector<16xi32>
    %shift_right_logical3A_40 = arith.shrui %get3A_37, %shift_right_logical3A_39 : vector<16xi32>
    %swap3A_41 = arith.constant 64 : index
    %swap3A_42 = tpu.vector_load %arg8[%swap3A_41] {strides = array<i32>} : memref<128xi32, #tpu.memory_space<vmem>>, vector<16xi32>,
    tpu.vector_store %arg8[%swap3A_41], %shift_right_logical3A_40 {strides = array<i32>} : memref<128xi32, #tpu.memory_space<vmem>>, vector<16xi32>,
    %get3A_43 = arith.constant 80 : index
    %get3A_44 = tpu.vector_load %arg6[%get3A_43] {strides = array<i32>} : memref<128xi32, #tpu.memory_space<vmem>>, vector<16xi32>,
    %shift_right_logical3A_45 = arith.constant 1 : i32
    %shift_right_logical3A_46 = vector.broadcast %shift_right_logical3A_45 : i32 to vector<16xi32>
    %shift_right_logical3A_47 = arith.shrui %get3A_44, %shift_right_logical3A_46 : vector<16xi32>
    %swap3A_48 = arith.constant 80 : index
    %swap3A_49 = tpu.vector_load %arg8[%swap3A_48] {strides = array<i32>} : memref<128xi32, #tpu.memory_space<vmem>>, vector<16xi32>,
    tpu.vector_store %arg8[%swap3A_48], %shift_right_logical3A_47 {strides = array<i32>} : memref<128xi32, #tpu.memory_space<vmem>>, vector<16xi32>,
    %get3A_50 = arith.constant 96 : index
    %get3A_51 = tpu.vector_load %arg6[%get3A_50] {strides = array<i32>} : memref<128xi32, #tpu.memory_space<vmem>>, vector<16xi32>,
    %shift_right_logical3A_52 = arith.constant 1 : i32
    %shift_right_logical3A_53 = vector.broadcast %shift_right_logical3A_52 : i32 to vector<16xi32>
    %shift_right_logical3A_54 = arith.shrui %get3A_51, %shift_right_logical3A_53 : vector<16xi32>
    %swap3A_55 = arith.constant 96 : index
    %swap3A_56 = tpu.vector_load %arg8[%swap3A_55] {strides = array<i32>} : memref<128xi32, #tpu.memory_space<vmem>>, vector<16xi32>,
    tpu.vector_store %arg8[%swap3A_55], %shift_right_logical3A_54 {strides = array<i32>} : memref<128xi32, #tpu.memory_space<vmem>>, vector<16xi32>,
    %get3A_57 = arith.constant 112 : index
    %get3A_58 = tpu.vector_load %arg6[%get3A_57] {strides = array<i32>} : memref<128xi32, #tpu.memory_space<vmem>>, vector<16xi32>,
    %shift_right_logical3A_59 = arith.constant 1 : i32
    %shift_right_logical3A_60 = vector.broadcast %shift_right_logical3A_59 : i32 to vector<16xi32>
    %shift_right_logical3A_61 = arith.shrui %get3A_58, %shift_right_logical3A_60 : vector<16xi32>
    %swap3A_62 = arith.constant 112 : index
    %swap3A_63 = tpu.vector_load %arg8[%swap3A_62] {strides = array<i32>} : memref<128xi32, #tpu.memory_space<vmem>>, vector<16xi32>,
    tpu.vector_store %arg8[%swap3A_62], %shift_right_logical3A_61 {strides = array<i32>} : memref<128xi32, #tpu.memory_space<vmem>>, vector<16xi32>,
    %dma_start3A_64 = arith.constant 0 : i32
    %dma_start3A_65 = arith.constant 0 : i32
    %dma_start3A_66 = tpu.memref_slice %arg3[%dma_start3A_64, %dma_start3A_65] : memref<500000x128xf32, #tpu.memory_space<hbm>> -> memref<500000x128xf32, #tpu.memory_space<hbm>>
    tpu.enqueue_indirect_dma source(%dma_start3A_66 : memref<500000x128xf32, #tpu.memory_space<hbm>>) target(%arg10 : memref<128x128xf32, #tpu.memory_space<vmem>>) offsets(%arg8 : memref<128xi32, #tpu.memory_space<vmem>>) semaphore(%arg17 : memref<!tpu.dma_semaphore, #tpu.memory_space<semaphore_mem>>)
    %dma_start3A_67 = arith.constant 1 : i32
    %dma_start3A_68 = tpu.memref_slice %arg2[%dma_start3A_67, %mul3A_2] : memref<200x4096xi32, #tpu.memory_space<hbm>> -> memref<1x128xi32, #tpu.memory_space<hbm>>
    %dma_start3A_69 = tpu.memref_squeeze %dma_start3A_68 : memref<1x128xi32, #tpu.memory_space<hbm>> -> memref<128xi32, #tpu.memory_space<hbm>>
    %dma_start3A_70 = tpu.memref_slice %arg2[%dma_start3A_67, %mul3A_2] : memref<200x4096xi32, #tpu.memory_space<hbm>> -> memref<1x128xi32, #tpu.memory_space<hbm>>
    %dma_start3A_71 = tpu.memref_squeeze %dma_start3A_70 : memref<1x128xi32, #tpu.memory_space<hbm>> -> memref<128xi32, #tpu.memory_space<hbm>>
    tpu.enqueue_dma source(%dma_start3A_71 : memref<128xi32, #tpu.memory_space<hbm>>) target(%arg7 : memref<128xi32, #tpu.memory_space<vmem>>) target_semaphore(%arg16 : memref<!tpu.dma_semaphore, #tpu.memory_space<semaphore_mem>>)
    %scan3A = arith.constant 0 : i32
    %scan3A_72 = arith.constant 0 : i32
    %scan3A_73 = arith.constant 100 : i32
    %scan3A_74 = arith.addi %scan3A_72, %scan3A_73 : i32
    %scan3A_75 = arith.constant 1 : i32
    scf.for %scan3A_85 = %scan3A_72 to %scan3A_74 step %scan3A_75  : i32 {
      %mul3A_86 = arith.constant 2 : i32
      %mul3A_87 = arith.muli %mul3A_86, %scan3A_85 : i32
      %add3A_88 = arith.constant 1 : i32
      %add3A_89 = arith.addi %mul3A_87, %add3A_88 : i32
      %lt3A = arith.constant 200 : i32
      %lt3A_90 = arith.cmpi slt, %add3A_89, %lt3A : i32
      %convert_element_type3A = arith.extui %lt3A_90 : i1 to i32
      %cond3A = arith.constant 0 : i32
      %cond3A_91 = arith.cmpi ne, %convert_element_type3A, %cond3A : i32
      scf.if %cond3A_91 {
        %add3A_326 = arith.constant 1 : i32
        %add3A_327 = arith.addi %mul3A_87, %add3A_326 : i32
        %dma_wait3A_328 = tpu.memref_slice %arg2[%add3A_327, %mul3A_2] : memref<200x4096xi32, #tpu.memory_space<hbm>> -> memref<1x128xi32, #tpu.memory_space<hbm>>
        %dma_wait3A_329 = tpu.memref_squeeze %dma_wait3A_328 : memref<1x128xi32, #tpu.memory_space<hbm>> -> memref<128xi32, #tpu.memory_space<hbm>>
        %dma_wait3A_330 = tpu.memref_slice %arg2[%add3A_327, %mul3A_2] : memref<200x4096xi32, #tpu.memory_space<hbm>> -> memref<1x128xi32, #tpu.memory_space<hbm>>
        %dma_wait3A_331 = tpu.memref_squeeze %dma_wait3A_330 : memref<1x128xi32, #tpu.memory_space<hbm>> -> memref<128xi32, #tpu.memory_space<hbm>>
        tpu.wait_dma2 semaphore(%arg16 : memref<!tpu.dma_semaphore, #tpu.memory_space<semaphore_mem>>) src(%dma_wait3A_331 : memref<128xi32, #tpu.memory_space<hbm>>) dst(%arg7 : memref<128xi32, #tpu.memory_space<vmem>>)
        %get3A_332 = arith.constant 0 : index
        %get3A_333 = tpu.vector_load %arg7[%get3A_332] {strides = array<i32>} : memref<128xi32, #tpu.memory_space<vmem>>, vector<16xi32>,
        %shift_right_logical3A_334 = arith.constant 1 : i32
        %shift_right_logical3A_335 = vector.broadcast %shift_right_logical3A_334 : i32 to vector<16xi32>
        %shift_right_logical3A_336 = arith.shrui %get3A_333, %shift_right_logical3A_335 : vector<16xi32>
        %swap3A_337 = arith.constant 0 : index
        %swap3A_338 = tpu.vector_load %arg9[%swap3A_337] {strides = array<i32>} : memref<128xi32, #tpu.memory_space<vmem>>, vector<16xi32>,
        tpu.vector_store %arg9[%swap3A_337], %shift_right_logical3A_336 {strides = array<i32>} : memref<128xi32, #tpu.memory_space<vmem>>, vector<16xi32>,
        %get3A_339 = arith.constant 16 : index
        %get3A_340 = tpu.vector_load %arg7[%get3A_339] {strides = array<i32>} : memref<128xi32, #tpu.memory_space<vmem>>, vector<16xi32>,
        %shift_right_logical3A_341 = arith.constant 1 : i32
        %shift_right_logical3A_342 = vector.broadcast %shift_right_logical3A_341 : i32 to vector<16xi32>
        %shift_right_logical3A_343 = arith.shrui %get3A_340, %shift_right_logical3A_342 : vector<16xi32>
        %swap3A_344 = arith.constant 16 : index
        %swap3A_345 = tpu.vector_load %arg9[%swap3A_344] {strides = array<i32>} : memref<128xi32, #tpu.memory_space<vmem>>, vector<16xi32>,
        tpu.vector_store %arg9[%swap3A_344], %shift_right_logical3A_343 {strides = array<i32>} : memref<128xi32, #tpu.memory_space<vmem>>, vector<16xi32>,
        %get3A_346 = arith.constant 32 : index
        %get3A_347 = tpu.vector_load %arg7[%get3A_346] {strides = array<i32>} : memref<128xi32, #tpu.memory_space<vmem>>, vector<16xi32>,
        %shift_right_logical3A_348 = arith.constant 1 : i32
        %shift_right_logical3A_349 = vector.broadcast %shift_right_logical3A_348 : i32 to vector<16xi32>
        %shift_right_logical3A_350 = arith.shrui %get3A_347, %shift_right_logical3A_349 : vector<16xi32>
        %swap3A_351 = arith.constant 32 : index
        %swap3A_352 = tpu.vector_load %arg9[%swap3A_351] {strides = array<i32>} : memref<128xi32, #tpu.memory_space<vmem>>, vector<16xi32>,
        tpu.vector_store %arg9[%swap3A_351], %shift_right_logical3A_350 {strides = array<i32>} : memref<128xi32, #tpu.memory_space<vmem>>, vector<16xi32>,
        %get3A_353 = arith.constant 48 : index
        %get3A_354 = tpu.vector_load %arg7[%get3A_353] {strides = array<i32>} : memref<128xi32, #tpu.memory_space<vmem>>, vector<16xi32>,
        %shift_right_logical3A_355 = arith.constant 1 : i32
        %shift_right_logical3A_356 = vector.broadcast %shift_right_logical3A_355 : i32 to vector<16xi32>
        %shift_right_logical3A_357 = arith.shrui %get3A_354, %shift_right_logical3A_356 : vector<16xi32>
        %swap3A_358 = arith.constant 48 : index
        %swap3A_359 = tpu.vector_load %arg9[%swap3A_358] {strides = array<i32>} : memref<128xi32, #tpu.memory_space<vmem>>, vector<16xi32>,
        tpu.vector_store %arg9[%swap3A_358], %shift_right_logical3A_357 {strides = array<i32>} : memref<128xi32, #tpu.memory_space<vmem>>, vector<16xi32>,
        %get3A_360 = arith.constant 64 : index
        %get3A_361 = tpu.vector_load %arg7[%get3A_360] {strides = array<i32>} : memref<128xi32, #tpu.memory_space<vmem>>, vector<16xi32>,
        %shift_right_logical3A_362 = arith.constant 1 : i32
        %shift_right_logical3A_363 = vector.broadcast %shift_right_logical3A_362 : i32 to vector<16xi32>
        %shift_right_logical3A_364 = arith.shrui %get3A_361, %shift_right_logical3A_363 : vector<16xi32>
        %swap3A_365 = arith.constant 64 : index
        %swap3A_366 = tpu.vector_load %arg9[%swap3A_365] {strides = array<i32>} : memref<128xi32, #tpu.memory_space<vmem>>, vector<16xi32>,
        tpu.vector_store %arg9[%swap3A_365], %shift_right_logical3A_364 {strides = array<i32>} : memref<128xi32, #tpu.memory_space<vmem>>, vector<16xi32>,
        %get3A_367 = arith.constant 80 : index
        %get3A_368 = tpu.vector_load %arg7[%get3A_367] {strides = array<i32>} : memref<128xi32, #tpu.memory_space<vmem>>, vector<16xi32>,
        %shift_right_logical3A_369 = arith.constant 1 : i32
        %shift_right_logical3A_370 = vector.broadcast %shift_right_logical3A_369 : i32 to vector<16xi32>
        %shift_right_logical3A_371 = arith.shrui %get3A_368, %shift_right_logical3A_370 : vector<16xi32>
        %swap3A_372 = arith.constant 80 : index
        %swap3A_373 = tpu.vector_load %arg9[%swap3A_372] {strides = array<i32>} : memref<128xi32, #tpu.memory_space<vmem>>, vector<16xi32>,
        tpu.vector_store %arg9[%swap3A_372], %shift_right_logical3A_371 {strides = array<i32>} : memref<128xi32, #tpu.memory_space<vmem>>, vector<16xi32>,
        %get3A_374 = arith.constant 96 : index
        %get3A_375 = tpu.vector_load %arg7[%get3A_374] {strides = array<i32>} : memref<128xi32, #tpu.memory_space<vmem>>, vector<16xi32>,
        %shift_right_logical3A_376 = arith.constant 1 : i32
        %shift_right_logical3A_377 = vector.broadcast %shift_right_logical3A_376 : i32 to vector<16xi32>
        %shift_right_logical3A_378 = arith.shrui %get3A_375, %shift_right_logical3A_377 : vector<16xi32>
        %swap3A_379 = arith.constant 96 : index
        %swap3A_380 = tpu.vector_load %arg9[%swap3A_379] {strides = array<i32>} : memref<128xi32, #tpu.memory_space<vmem>>, vector<16xi32>,
        tpu.vector_store %arg9[%swap3A_379], %shift_right_logical3A_378 {strides = array<i32>} : memref<128xi32, #tpu.memory_space<vmem>>, vector<16xi32>,
        %get3A_381 = arith.constant 112 : index
        %get3A_382 = tpu.vector_load %arg7[%get3A_381] {strides = array<i32>} : memref<128xi32, #tpu.memory_space<vmem>>, vector<16xi32>,
        %shift_right_logical3A_383 = arith.constant 1 : i32
        %shift_right_logical3A_384 = vector.broadcast %shift_right_logical3A_383 : i32 to vector<16xi32>
        %shift_right_logical3A_385 = arith.shrui %get3A_382, %shift_right_logical3A_384 : vector<16xi32>
        %swap3A_386 = arith.constant 112 : index
        %swap3A_387 = tpu.vector_load %arg9[%swap3A_386] {strides = array<i32>} : memref<128xi32, #tpu.memory_space<vmem>>, vector<16xi32>,
        tpu.vector_store %arg9[%swap3A_386], %shift_right_logical3A_385 {strides = array<i32>} : memref<128xi32, #tpu.memory_space<vmem>>, vector<16xi32>,
        %dma_start3A_388 = arith.constant 0 : i32
        %dma_start3A_389 = arith.constant 0 : i32
        %dma_start3A_390 = tpu.memref_slice %arg3[%dma_start3A_388, %dma_start3A_389] : memref<500000x128xf32, #tpu.memory_space<hbm>> -> memref<500000x128xf32, #tpu.memory_space<hbm>>
        tpu.enqueue_indirect_dma source(%dma_start3A_390 : memref<500000x128xf32, #tpu.memory_space<hbm>>) target(%arg11 : memref<128x128xf32, #tpu.memory_space<vmem>>) offsets(%arg9 : memref<128xi32, #tpu.memory_space<vmem>>) semaphore(%arg18 : memref<!tpu.dma_semaphore, #tpu.memory_space<semaphore_mem>>)
      } else {
      }
      %dma_wait3A_92 = arith.constant 0 : i32
      %dma_wait3A_93 = arith.constant 0 : i32
      %dma_wait3A_94 = tpu.memref_slice %arg3[%dma_wait3A_92, %dma_wait3A_93] : memref<500000x128xf32, #tpu.memory_space<hbm>> -> memref<500000x128xf32, #tpu.memory_space<hbm>>
      tpu.wait_indirect_dma semaphore(%arg17 : memref<!tpu.dma_semaphore, #tpu.memory_space<semaphore_mem>>) src(%dma_wait3A_94 : memref<500000x128xf32, #tpu.memory_space<hbm>>) dst(%arg10 : memref<128x128xf32, #tpu.memory_space<vmem>>)
      %add3A_95 = arith.constant 0 : i32
      %add3A_96 = vector.broadcast %add3A_95 : i32 to vector<16xi32>
      %add3A_97 = arith.addi %iota3A, %add3A_96 : vector<16xi32>
      %add3A_98 = arith.constant 16 : i32
      %add3A_99 = vector.broadcast %add3A_98 : i32 to vector<16xi32>
      %add3A_100 = arith.addi %iota3A, %add3A_99 : vector<16xi32>
      %add3A_101 = arith.constant 32 : i32
      %add3A_102 = vector.broadcast %add3A_101 : i32 to vector<16xi32>
      %add3A_103 = arith.addi %iota3A, %add3A_102 : vector<16xi32>
      %add3A_104 = arith.constant 48 : i32
      %add3A_105 = vector.broadcast %add3A_104 : i32 to vector<16xi32>
      %add3A_106 = arith.addi %iota3A, %add3A_105 : vector<16xi32>
      %add3A_107 = arith.constant 64 : i32
      %add3A_108 = vector.broadcast %add3A_107 : i32 to vector<16xi32>
      %add3A_109 = arith.addi %iota3A, %add3A_108 : vector<16xi32>
      %add3A_110 = arith.constant 80 : i32
      %add3A_111 = vector.broadcast %add3A_110 : i32 to vector<16xi32>
      %add3A_112 = arith.addi %iota3A, %add3A_111 : vector<16xi32>
      %add3A_113 = arith.constant 96 : i32
      %add3A_114 = vector.broadcast %add3A_113 : i32 to vector<16xi32>
      %add3A_115 = arith.addi %iota3A, %add3A_114 : vector<16xi32>
      %add3A_116 = arith.constant 112 : i32
      %add3A_117 = vector.broadcast %add3A_116 : i32 to vector<16xi32>
      %add3A_118 = arith.addi %iota3A, %add3A_117 : vector<16xi32>
      %get3A_119 = arith.constant 0 : index
      %get3A_120 = tpu.vector_load %arg6[%get3A_119] {strides = array<i32>} : memref<128xi32, #tpu.memory_space<vmem>>, vector<16xi32>,
      %and3A = arith.constant 1 : i32
      %and3A_121 = vector.broadcast %and3A : i32 to vector<16xi32>
      %and3A_122 = arith.andi %get3A_120, %and3A_121 : vector<16xi32>
      %mul3A_123 = arith.constant 64 : i32
      %mul3A_124 = vector.broadcast %mul3A_123 : i32 to vector<16xi32>
      %mul3A_125 = arith.muli %and3A_122, %mul3A_124 : vector<16xi32>
      %get3A_126 = arith.constant 16 : index
      %get3A_127 = tpu.vector_load %arg6[%get3A_126] {strides = array<i32>} : memref<128xi32, #tpu.memory_space<vmem>>, vector<16xi32>,
      %and3A_128 = arith.constant 1 : i32
      %and3A_129 = vector.broadcast %and3A_128 : i32 to vector<16xi32>
      %and3A_130 = arith.andi %get3A_127, %and3A_129 : vector<16xi32>
      %mul3A_131 = arith.constant 64 : i32
      %mul3A_132 = vector.broadcast %mul3A_131 : i32 to vector<16xi32>
      %mul3A_133 = arith.muli %and3A_130, %mul3A_132 : vector<16xi32>
      %get3A_134 = arith.constant 32 : index
      %get3A_135 = tpu.vector_load %arg6[%get3A_134] {strides = array<i32>} : memref<128xi32, #tpu.memory_space<vmem>>, vector<16xi32>,
      %and3A_136 = arith.constant 1 : i32
      %and3A_137 = vector.broadcast %and3A_136 : i32 to vector<16xi32>
      %and3A_138 = arith.andi %get3A_135, %and3A_137 : vector<16xi32>
      %mul3A_139 = arith.constant 64 : i32
      %mul3A_140 = vector.broadcast %mul3A_139 : i32 to vector<16xi32>
      %mul3A_141 = arith.muli %and3A_138, %mul3A_140 : vector<16xi32>
      %get3A_142 = arith.constant 48 : index
      %get3A_143 = tpu.vector_load %arg6[%get3A_142] {strides = array<i32>} : memref<128xi32, #tpu.memory_space<vmem>>, vector<16xi32>,
      %and3A_144 = arith.constant 1 : i32
      %and3A_145 = vector.broadcast %and3A_144 : i32 to vector<16xi32>
      %and3A_146 = arith.andi %get3A_143, %and3A_145 : vector<16xi32>
      %mul3A_147 = arith.constant 64 : i32
      %mul3A_148 = vector.broadcast %mul3A_147 : i32 to vector<16xi32>
      %mul3A_149 = arith.muli %and3A_146, %mul3A_148 : vector<16xi32>
      %get3A_150 = arith.constant 64 : index
      %get3A_151 = tpu.vector_load %arg6[%get3A_150] {strides = array<i32>} : memref<128xi32, #tpu.memory_space<vmem>>, vector<16xi32>,
      %and3A_152 = arith.constant 1 : i32
      %and3A_153 = vector.broadcast %and3A_152 : i32 to vector<16xi32>
      %and3A_154 = arith.andi %get3A_151, %and3A_153 : vector<16xi32>
      %mul3A_155 = arith.constant 64 : i32
      %mul3A_156 = vector.broadcast %mul3A_155 : i32 to vector<16xi32>
      %mul3A_157 = arith.muli %and3A_154, %mul3A_156 : vector<16xi32>
      %get3A_158 = arith.constant 80 : index
      %get3A_159 = tpu.vector_load %arg6[%get3A_158] {strides = array<i32>} : memref<128xi32, #tpu.memory_space<vmem>>, vector<16xi32>,
      %and3A_160 = arith.constant 1 : i32
      %and3A_161 = vector.broadcast %and3A_160 : i32 to vector<16xi32>
      %and3A_162 = arith.andi %get3A_159, %and3A_161 : vector<16xi32>
      %mul3A_163 = arith.constant 64 : i32
      %mul3A_164 = vector.broadcast %mul3A_163 : i32 to vector<16xi32>
      %mul3A_165 = arith.muli %and3A_162, %mul3A_164 : vector<16xi32>
      %get3A_166 = arith.constant 96 : index
      %get3A_167 = tpu.vector_load %arg6[%get3A_166] {strides = array<i32>} : memref<128xi32, #tpu.memory_space<vmem>>, vector<16xi32>,
      %and3A_168 = arith.constant 1 : i32
      %and3A_169 = vector.broadcast %and3A_168 : i32 to vector<16xi32>
      %and3A_170 = arith.andi %get3A_167, %and3A_169 : vector<16xi32>
      %mul3A_171 = arith.constant 64 : i32
      %mul3A_172 = vector.broadcast %mul3A_171 : i32 to vector<16xi32>
      %mul3A_173 = arith.muli %and3A_170, %mul3A_172 : vector<16xi32>
      %get3A_174 = arith.constant 112 : index
      %get3A_175 = tpu.vector_load %arg6[%get3A_174] {strides = array<i32>} : memref<128xi32, #tpu.memory_space<vmem>>, vector<16xi32>,
      %and3A_176 = arith.constant 1 : i32
      %and3A_177 = vector.broadcast %and3A_176 : i32 to vector<16xi32>
      %and3A_178 = arith.andi %get3A_175, %and3A_177 : vector<16xi32>
      %mul3A_179 = arith.constant 64 : i32
      %mul3A_180 = vector.broadcast %mul3A_179 : i32 to vector<16xi32>
      %mul3A_181 = arith.muli %and3A_178, %mul3A_180 : vector<16xi32>
      %add3A_182 = arith.constant 2 : i32
      %add3A_183 = arith.addi %mul3A_87, %add3A_182 : i32
      %lt3A_184 = arith.constant 200 : i32
      %lt3A_185 = arith.cmpi slt, %add3A_183, %lt3A_184 : i32
      %convert_element_type3A_186 = arith.extui %lt3A_185 : i1 to i32
      %cond3A_187 = arith.constant 0 : i32
      %cond3A_188 = arith.cmpi ne, %convert_element_type3A_186, %cond3A_187 : i32
      scf.if %cond3A_188 {
        %add3A_326 = arith.constant 2 : i32
        %add3A_327 = arith.addi %mul3A_87, %add3A_326 : i32
        %dma_start3A_328 = tpu.memref_slice %arg2[%add3A_327, %mul3A_2] : memref<200x4096xi32, #tpu.memory_space<hbm>> -> memref<1x128xi32, #tpu.memory_space<hbm>>
        %dma_start3A_329 = tpu.memref_squeeze %dma_start3A_328 : memref<1x128xi32, #tpu.memory_space<hbm>> -> memref<128xi32, #tpu.memory_space<hbm>>
        %dma_start3A_330 = tpu.memref_slice %arg2[%add3A_327, %mul3A_2] : memref<200x4096xi32, #tpu.memory_space<hbm>> -> memref<1x128xi32, #tpu.memory_space<hbm>>
        %dma_start3A_331 = tpu.memref_squeeze %dma_start3A_330 : memref<1x128xi32, #tpu.memory_space<hbm>> -> memref<128xi32, #tpu.memory_space<hbm>>
        tpu.enqueue_dma source(%dma_start3A_331 : memref<128xi32, #tpu.memory_space<hbm>>) target(%arg6 : memref<128xi32, #tpu.memory_space<vmem>>) target_semaphore(%arg15 : memref<!tpu.dma_semaphore, #tpu.memory_space<semaphore_mem>>)
      } else {
      }
      %ge3A = arith.constant 2 : i32
      %ge3A_189 = arith.cmpi sge, %mul3A_87, %ge3A : i32
      %convert_element_type3A_190 = arith.extui %ge3A_189 : i1 to i32
      %cond3A_191 = arith.constant 0 : i32
      %cond3A_192 = arith.cmpi ne, %convert_element_type3A_190, %cond3A_191 : i32
      scf.if %cond3A_192 {
        %sub3A = arith.constant 2 : i32
        %sub3A_326 = arith.subi %mul3A_87, %sub3A : i32
        %mul3A_327 = arith.constant 64 : i32
        %mul3A_328 = arith.muli %sub3A_326, %mul3A_327 : i32
        %dma_wait3A_329 = tpu.memref_slice %arg5[%mul3A_328, %mul3A_2] : memref<12800x4096xf32, #tpu.memory_space<hbm>> -> memref<64x128xf32, #tpu.memory_space<hbm>>
        %dma_wait3A_330 = tpu.memref_slice %arg5[%mul3A_328, %mul3A_2] : memref<12800x4096xf32, #tpu.memory_space<hbm>> -> memref<64x128xf32, #tpu.memory_space<hbm>>
        tpu.wait_dma2 semaphore(%arg19 : memref<!tpu.dma_semaphore, #tpu.memory_space<semaphore_mem>>) src(%arg12 : memref<64x128xf32, #tpu.memory_space<vmem>>) dst(%dma_wait3A_330 : memref<64x128xf32, #tpu.memory_space<hbm>>)
      } else {
      }
      %broadcast_in_dim3A = vector.broadcast %mul3A_87 : i32 to vector<16xi32>
      %scan3A_193 = arith.constant 0 : i32
      %scan3A_194 = arith.constant 0 : i32
      %scan3A_195 = arith.constant 16 : i32
      %scan3A_196 = arith.addi %scan3A_194, %scan3A_195 : i32
      %scan3A_197 = arith.constant 1 : i32
      scf.for %scan3A_326 = %scan3A_194 to %scan3A_196 step %scan3A_197  : i32 {
        %add3A_327 = vector.broadcast %scan3A_326 : i32 to vector<16xi32>
        %add3A_328 = arith.addi %add3A_327, %iota3A : vector<16xi32>
        %and3A_329 = arith.constant 15 : i32
        %and3A_330 = vector.broadcast %and3A_329 : i32 to vector<16xi32>
        %and3A_331 = arith.andi %add3A_328, %and3A_330 : vector<16xi32>
        %add3A_332 = arith.constant 0 : i32
        %add3A_333 = vector.broadcast %add3A_332 : i32 to vector<16xi32>
        %add3A_334 = arith.addi %add3A_333, %and3A_331 : vector<16xi32>
        %gather3A = tpu.vector_load_idx %arg14[%broadcast_in_dim3A, %add3A_334] : memref<200x64xf32, #tpu.memory_space<vmem>>[vector<16xi32>, vector<16xi32>], vector<16xf32>,
        %add3A_335 = arith.addi %mul3A_125, %add3A_334 : vector<16xi32>
        %gather3A_336 = tpu.vector_load_idx %arg10[%add3A_97, %add3A_335] : memref<128x128xf32, #tpu.memory_space<vmem>>[vector<16xi32>, vector<16xi32>], vector<16xf32>,
        %add3A_337 = arith.addf %gather3A_336, %gather3A : vector<16xf32>
        tpu.vector_store_idx %arg12[%add3A_334, %add3A_97], %add3A_337 : memref<64x128xf32, #tpu.memory_space<vmem>>[vector<16xi32>, vector<16xi32>], vector<16xf32>,
        %add3A_338 = arith.addi %mul3A_133, %add3A_334 : vector<16xi32>
        %gather3A_339 = tpu.vector_load_idx %arg10[%add3A_100, %add3A_338] : memref<128x128xf32, #tpu.memory_space<vmem>>[vector<16xi32>, vector<16xi32>], vector<16xf32>,
        %add3A_340 = arith.addf %gather3A_339, %gather3A : vector<16xf32>
        tpu.vector_store_idx %arg12[%add3A_334, %add3A_100], %add3A_340 : memref<64x128xf32, #tpu.memory_space<vmem>>[vector<16xi32>, vector<16xi32>], vector<16xf32>,
        %add3A_341 = arith.addi %mul3A_141, %add3A_334 : vector<16xi32>
        %gather3A_342 = tpu.vector_load_idx %arg10[%add3A_103, %add3A_341] : memref<128x128xf32, #tpu.memory_space<vmem>>[vector<16xi32>, vector<16xi32>], vector<16xf32>,
        %add3A_343 = arith.addf %gather3A_342, %gather3A : vector<16xf32>
        tpu.vector_store_idx %arg12[%add3A_334, %add3A_103], %add3A_343 : memref<64x128xf32, #tpu.memory_space<vmem>>[vector<16xi32>, vector<16xi32>], vector<16xf32>,
        %add3A_344 = arith.addi %mul3A_149, %add3A_334 : vector<16xi32>
        %gather3A_345 = tpu.vector_load_idx %arg10[%add3A_106, %add3A_344] : memref<128x128xf32, #tpu.memory_space<vmem>>[vector<16xi32>, vector<16xi32>], vector<16xf32>,
        %add3A_346 = arith.addf %gather3A_345, %gather3A : vector<16xf32>
        tpu.vector_store_idx %arg12[%add3A_334, %add3A_106], %add3A_346 : memref<64x128xf32, #tpu.memory_space<vmem>>[vector<16xi32>, vector<16xi32>], vector<16xf32>,
        %add3A_347 = arith.addi %mul3A_157, %add3A_334 : vector<16xi32>
        %gather3A_348 = tpu.vector_load_idx %arg10[%add3A_109, %add3A_347] : memref<128x128xf32, #tpu.memory_space<vmem>>[vector<16xi32>, vector<16xi32>], vector<16xf32>,
        %add3A_349 = arith.addf %gather3A_348, %gather3A : vector<16xf32>
        tpu.vector_store_idx %arg12[%add3A_334, %add3A_109], %add3A_349 : memref<64x128xf32, #tpu.memory_space<vmem>>[vector<16xi32>, vector<16xi32>], vector<16xf32>,
        %add3A_350 = arith.addi %mul3A_165, %add3A_334 : vector<16xi32>
        %gather3A_351 = tpu.vector_load_idx %arg10[%add3A_112, %add3A_350] : memref<128x128xf32, #tpu.memory_space<vmem>>[vector<16xi32>, vector<16xi32>], vector<16xf32>,
        %add3A_352 = arith.addf %gather3A_351, %gather3A : vector<16xf32>
        tpu.vector_store_idx %arg12[%add3A_334, %add3A_112], %add3A_352 : memref<64x128xf32, #tpu.memory_space<vmem>>[vector<16xi32>, vector<16xi32>], vector<16xf32>,
        %add3A_353 = arith.addi %mul3A_173, %add3A_334 : vector<16xi32>
        %gather3A_354 = tpu.vector_load_idx %arg10[%add3A_115, %add3A_353] : memref<128x128xf32, #tpu.memory_space<vmem>>[vector<16xi32>, vector<16xi32>], vector<16xf32>,
        %add3A_355 = arith.addf %gather3A_354, %gather3A : vector<16xf32>
        tpu.vector_store_idx %arg12[%add3A_334, %add3A_115], %add3A_355 : memref<64x128xf32, #tpu.memory_space<vmem>>[vector<16xi32>, vector<16xi32>], vector<16xf32>,
        %add3A_356 = arith.addi %mul3A_181, %add3A_334 : vector<16xi32>
        %gather3A_357 = tpu.vector_load_idx %arg10[%add3A_118, %add3A_356] : memref<128x128xf32, #tpu.memory_space<vmem>>[vector<16xi32>, vector<16xi32>], vector<16xf32>,
        %add3A_358 = arith.addf %gather3A_357, %gather3A : vector<16xf32>
        tpu.vector_store_idx %arg12[%add3A_334, %add3A_118], %add3A_358 : memref<64x128xf32, #tpu.memory_space<vmem>>[vector<16xi32>, vector<16xi32>], vector<16xf32>,
        %add3A_359 = arith.constant 16 : i32
        %add3A_360 = vector.broadcast %add3A_359 : i32 to vector<16xi32>
        %add3A_361 = arith.addi %add3A_360, %and3A_331 : vector<16xi32>
        %gather3A_362 = tpu.vector_load_idx %arg14[%broadcast_in_dim3A, %add3A_361] : memref<200x64xf32, #tpu.memory_space<vmem>>[vector<16xi32>, vector<16xi32>], vector<16xf32>,
        %add3A_363 = arith.addi %mul3A_125, %add3A_361 : vector<16xi32>
        %gather3A_364 = tpu.vector_load_idx %arg10[%add3A_97, %add3A_363] : memref<128x128xf32, #tpu.memory_space<vmem>>[vector<16xi32>, vector<16xi32>], vector<16xf32>,
        %add3A_365 = arith.addf %gather3A_364, %gather3A_362 : vector<16xf32>
        tpu.vector_store_idx %arg12[%add3A_361, %add3A_97], %add3A_365 : memref<64x128xf32, #tpu.memory_space<vmem>>[vector<16xi32>, vector<16xi32>], vector<16xf32>,
        %add3A_366 = arith.addi %mul3A_133, %add3A_361 : vector<16xi32>
        %gather3A_367 = tpu.vector_load_idx %arg10[%add3A_100, %add3A_366] : memref<128x128xf32, #tpu.memory_space<vmem>>[vector<16xi32>, vector<16xi32>], vector<16xf32>,
        %add3A_368 = arith.addf %gather3A_367, %gather3A_362 : vector<16xf32>
        tpu.vector_store_idx %arg12[%add3A_361, %add3A_100], %add3A_368 : memref<64x128xf32, #tpu.memory_space<vmem>>[vector<16xi32>, vector<16xi32>], vector<16xf32>,
        %add3A_369 = arith.addi %mul3A_141, %add3A_361 : vector<16xi32>
        %gather3A_370 = tpu.vector_load_idx %arg10[%add3A_103, %add3A_369] : memref<128x128xf32, #tpu.memory_space<vmem>>[vector<16xi32>, vector<16xi32>], vector<16xf32>,
        %add3A_371 = arith.addf %gather3A_370, %gather3A_362 : vector<16xf32>
        tpu.vector_store_idx %arg12[%add3A_361, %add3A_103], %add3A_371 : memref<64x128xf32, #tpu.memory_space<vmem>>[vector<16xi32>, vector<16xi32>], vector<16xf32>,
        %add3A_372 = arith.addi %mul3A_149, %add3A_361 : vector<16xi32>
        %gather3A_373 = tpu.vector_load_idx %arg10[%add3A_106, %add3A_372] : memref<128x128xf32, #tpu.memory_space<vmem>>[vector<16xi32>, vector<16xi32>], vector<16xf32>,
        %add3A_374 = arith.addf %gather3A_373, %gather3A_362 : vector<16xf32>
        tpu.vector_store_idx %arg12[%add3A_361, %add3A_106], %add3A_374 : memref<64x128xf32, #tpu.memory_space<vmem>>[vector<16xi32>, vector<16xi32>], vector<16xf32>,
        %add3A_375 = arith.addi %mul3A_157, %add3A_361 : vector<16xi32>
        %gather3A_376 = tpu.vector_load_idx %arg10[%add3A_109, %add3A_375] : memref<128x128xf32, #tpu.memory_space<vmem>>[vector<16xi32>, vector<16xi32>], vector<16xf32>,
        %add3A_377 = arith.addf %gather3A_376, %gather3A_362 : vector<16xf32>
        tpu.vector_store_idx %arg12[%add3A_361, %add3A_109], %add3A_377 : memref<64x128xf32, #tpu.memory_space<vmem>>[vector<16xi32>, vector<16xi32>], vector<16xf32>,
        %add3A_378 = arith.addi %mul3A_165, %add3A_361 : vector<16xi32>
        %gather3A_379 = tpu.vector_load_idx %arg10[%add3A_112, %add3A_378] : memref<128x128xf32, #tpu.memory_space<vmem>>[vector<16xi32>, vector<16xi32>], vector<16xf32>,
        %add3A_380 = arith.addf %gather3A_379, %gather3A_362 : vector<16xf32>
        tpu.vector_store_idx %arg12[%add3A_361, %add3A_112], %add3A_380 : memref<64x128xf32, #tpu.memory_space<vmem>>[vector<16xi32>, vector<16xi32>], vector<16xf32>,
        %add3A_381 = arith.addi %mul3A_173, %add3A_361 : vector<16xi32>
        %gather3A_382 = tpu.vector_load_idx %arg10[%add3A_115, %add3A_381] : memref<128x128xf32, #tpu.memory_space<vmem>>[vector<16xi32>, vector<16xi32>], vector<16xf32>,
        %add3A_383 = arith.addf %gather3A_382, %gather3A_362 : vector<16xf32>
        tpu.vector_store_idx %arg12[%add3A_361, %add3A_115], %add3A_383 : memref<64x128xf32, #tpu.memory_space<vmem>>[vector<16xi32>, vector<16xi32>], vector<16xf32>,
        %add3A_384 = arith.addi %mul3A_181, %add3A_361 : vector<16xi32>
        %gather3A_385 = tpu.vector_load_idx %arg10[%add3A_118, %add3A_384] : memref<128x128xf32, #tpu.memory_space<vmem>>[vector<16xi32>, vector<16xi32>], vector<16xf32>,
        %add3A_386 = arith.addf %gather3A_385, %gather3A_362 : vector<16xf32>
        tpu.vector_store_idx %arg12[%add3A_361, %add3A_118], %add3A_386 : memref<64x128xf32, #tpu.memory_space<vmem>>[vector<16xi32>, vector<16xi32>], vector<16xf32>,
        %add3A_387 = arith.constant 32 : i32
        %add3A_388 = vector.broadcast %add3A_387 : i32 to vector<16xi32>
        %add3A_389 = arith.addi %add3A_388, %and3A_331 : vector<16xi32>
        %gather3A_390 = tpu.vector_load_idx %arg14[%broadcast_in_dim3A, %add3A_389] : memref<200x64xf32, #tpu.memory_space<vmem>>[vector<16xi32>, vector<16xi32>], vector<16xf32>,
        %add3A_391 = arith.addi %mul3A_125, %add3A_389 : vector<16xi32>
        %gather3A_392 = tpu.vector_load_idx %arg10[%add3A_97, %add3A_391] : memref<128x128xf32, #tpu.memory_space<vmem>>[vector<16xi32>, vector<16xi32>], vector<16xf32>,
        %add3A_393 = arith.addf %gather3A_392, %gather3A_390 : vector<16xf32>
        tpu.vector_store_idx %arg12[%add3A_389, %add3A_97], %add3A_393 : memref<64x128xf32, #tpu.memory_space<vmem>>[vector<16xi32>, vector<16xi32>], vector<16xf32>,
        %add3A_394 = arith.addi %mul3A_133, %add3A_389 : vector<16xi32>
        %gather3A_395 = tpu.vector_load_idx %arg10[%add3A_100, %add3A_394] : memref<128x128xf32, #tpu.memory_space<vmem>>[vector<16xi32>, vector<16xi32>], vector<16xf32>,
        %add3A_396 = arith.addf %gather3A_395, %gather3A_390 : vector<16xf32>
        tpu.vector_store_idx %arg12[%add3A_389, %add3A_100], %add3A_396 : memref<64x128xf32, #tpu.memory_space<vmem>>[vector<16xi32>, vector<16xi32>], vector<16xf32>,
        %add3A_397 = arith.addi %mul3A_141, %add3A_389 : vector<16xi32>
        %gather3A_398 = tpu.vector_load_idx %arg10[%add3A_103, %add3A_397] : memref<128x128xf32, #tpu.memory_space<vmem>>[vector<16xi32>, vector<16xi32>], vector<16xf32>,
        %add3A_399 = arith.addf %gather3A_398, %gather3A_390 : vector<16xf32>
        tpu.vector_store_idx %arg12[%add3A_389, %add3A_103], %add3A_399 : memref<64x128xf32, #tpu.memory_space<vmem>>[vector<16xi32>, vector<16xi32>], vector<16xf32>,
        %add3A_400 = arith.addi %mul3A_149, %add3A_389 : vector<16xi32>
        %gather3A_401 = tpu.vector_load_idx %arg10[%add3A_106, %add3A_400] : memref<128x128xf32, #tpu.memory_space<vmem>>[vector<16xi32>, vector<16xi32>], vector<16xf32>,
        %add3A_402 = arith.addf %gather3A_401, %gather3A_390 : vector<16xf32>
        tpu.vector_store_idx %arg12[%add3A_389, %add3A_106], %add3A_402 : memref<64x128xf32, #tpu.memory_space<vmem>>[vector<16xi32>, vector<16xi32>], vector<16xf32>,
        %add3A_403 = arith.addi %mul3A_157, %add3A_389 : vector<16xi32>
        %gather3A_404 = tpu.vector_load_idx %arg10[%add3A_109, %add3A_403] : memref<128x128xf32, #tpu.memory_space<vmem>>[vector<16xi32>, vector<16xi32>], vector<16xf32>,
        %add3A_405 = arith.addf %gather3A_404, %gather3A_390 : vector<16xf32>
        tpu.vector_store_idx %arg12[%add3A_389, %add3A_109], %add3A_405 : memref<64x128xf32, #tpu.memory_space<vmem>>[vector<16xi32>, vector<16xi32>], vector<16xf32>,
        %add3A_406 = arith.addi %mul3A_165, %add3A_389 : vector<16xi32>
        %gather3A_407 = tpu.vector_load_idx %arg10[%add3A_112, %add3A_406] : memref<128x128xf32, #tpu.memory_space<vmem>>[vector<16xi32>, vector<16xi32>], vector<16xf32>,
        %add3A_408 = arith.addf %gather3A_407, %gather3A_390 : vector<16xf32>
        tpu.vector_store_idx %arg12[%add3A_389, %add3A_112], %add3A_408 : memref<64x128xf32, #tpu.memory_space<vmem>>[vector<16xi32>, vector<16xi32>], vector<16xf32>,
        %add3A_409 = arith.addi %mul3A_173, %add3A_389 : vector<16xi32>
        %gather3A_410 = tpu.vector_load_idx %arg10[%add3A_115, %add3A_409] : memref<128x128xf32, #tpu.memory_space<vmem>>[vector<16xi32>, vector<16xi32>], vector<16xf32>,
        %add3A_411 = arith.addf %gather3A_410, %gather3A_390 : vector<16xf32>
        tpu.vector_store_idx %arg12[%add3A_389, %add3A_115], %add3A_411 : memref<64x128xf32, #tpu.memory_space<vmem>>[vector<16xi32>, vector<16xi32>], vector<16xf32>,
        %add3A_412 = arith.addi %mul3A_181, %add3A_389 : vector<16xi32>
        %gather3A_413 = tpu.vector_load_idx %arg10[%add3A_118, %add3A_412] : memref<128x128xf32, #tpu.memory_space<vmem>>[vector<16xi32>, vector<16xi32>], vector<16xf32>,
        %add3A_414 = arith.addf %gather3A_413, %gather3A_390 : vector<16xf32>
        tpu.vector_store_idx %arg12[%add3A_389, %add3A_118], %add3A_414 : memref<64x128xf32, #tpu.memory_space<vmem>>[vector<16xi32>, vector<16xi32>], vector<16xf32>,
        %add3A_415 = arith.constant 48 : i32
        %add3A_416 = vector.broadcast %add3A_415 : i32 to vector<16xi32>
        %add3A_417 = arith.addi %add3A_416, %and3A_331 : vector<16xi32>
        %gather3A_418 = tpu.vector_load_idx %arg14[%broadcast_in_dim3A, %add3A_417] : memref<200x64xf32, #tpu.memory_space<vmem>>[vector<16xi32>, vector<16xi32>], vector<16xf32>,
        %add3A_419 = arith.addi %mul3A_125, %add3A_417 : vector<16xi32>
        %gather3A_420 = tpu.vector_load_idx %arg10[%add3A_97, %add3A_419] : memref<128x128xf32, #tpu.memory_space<vmem>>[vector<16xi32>, vector<16xi32>], vector<16xf32>,
        %add3A_421 = arith.addf %gather3A_420, %gather3A_418 : vector<16xf32>
        tpu.vector_store_idx %arg12[%add3A_417, %add3A_97], %add3A_421 : memref<64x128xf32, #tpu.memory_space<vmem>>[vector<16xi32>, vector<16xi32>], vector<16xf32>,
        %add3A_422 = arith.addi %mul3A_133, %add3A_417 : vector<16xi32>
        %gather3A_423 = tpu.vector_load_idx %arg10[%add3A_100, %add3A_422] : memref<128x128xf32, #tpu.memory_space<vmem>>[vector<16xi32>, vector<16xi32>], vector<16xf32>,
        %add3A_424 = arith.addf %gather3A_423, %gather3A_418 : vector<16xf32>
        tpu.vector_store_idx %arg12[%add3A_417, %add3A_100], %add3A_424 : memref<64x128xf32, #tpu.memory_space<vmem>>[vector<16xi32>, vector<16xi32>], vector<16xf32>,
        %add3A_425 = arith.addi %mul3A_141, %add3A_417 : vector<16xi32>
        %gather3A_426 = tpu.vector_load_idx %arg10[%add3A_103, %add3A_425] : memref<128x128xf32, #tpu.memory_space<vmem>>[vector<16xi32>, vector<16xi32>], vector<16xf32>,
        %add3A_427 = arith.addf %gather3A_426, %gather3A_418 : vector<16xf32>
        tpu.vector_store_idx %arg12[%add3A_417, %add3A_103], %add3A_427 : memref<64x128xf32, #tpu.memory_space<vmem>>[vector<16xi32>, vector<16xi32>], vector<16xf32>,
        %add3A_428 = arith.addi %mul3A_149, %add3A_417 : vector<16xi32>
        %gather3A_429 = tpu.vector_load_idx %arg10[%add3A_106, %add3A_428] : memref<128x128xf32, #tpu.memory_space<vmem>>[vector<16xi32>, vector<16xi32>], vector<16xf32>,
        %add3A_430 = arith.addf %gather3A_429, %gather3A_418 : vector<16xf32>
        tpu.vector_store_idx %arg12[%add3A_417, %add3A_106], %add3A_430 : memref<64x128xf32, #tpu.memory_space<vmem>>[vector<16xi32>, vector<16xi32>], vector<16xf32>,
        %add3A_431 = arith.addi %mul3A_157, %add3A_417 : vector<16xi32>
        %gather3A_432 = tpu.vector_load_idx %arg10[%add3A_109, %add3A_431] : memref<128x128xf32, #tpu.memory_space<vmem>>[vector<16xi32>, vector<16xi32>], vector<16xf32>,
        %add3A_433 = arith.addf %gather3A_432, %gather3A_418 : vector<16xf32>
        tpu.vector_store_idx %arg12[%add3A_417, %add3A_109], %add3A_433 : memref<64x128xf32, #tpu.memory_space<vmem>>[vector<16xi32>, vector<16xi32>], vector<16xf32>,
        %add3A_434 = arith.addi %mul3A_165, %add3A_417 : vector<16xi32>
        %gather3A_435 = tpu.vector_load_idx %arg10[%add3A_112, %add3A_434] : memref<128x128xf32, #tpu.memory_space<vmem>>[vector<16xi32>, vector<16xi32>], vector<16xf32>,
        %add3A_436 = arith.addf %gather3A_435, %gather3A_418 : vector<16xf32>
        tpu.vector_store_idx %arg12[%add3A_417, %add3A_112], %add3A_436 : memref<64x128xf32, #tpu.memory_space<vmem>>[vector<16xi32>, vector<16xi32>], vector<16xf32>,
        %add3A_437 = arith.addi %mul3A_173, %add3A_417 : vector<16xi32>
        %gather3A_438 = tpu.vector_load_idx %arg10[%add3A_115, %add3A_437] : memref<128x128xf32, #tpu.memory_space<vmem>>[vector<16xi32>, vector<16xi32>], vector<16xf32>,
        %add3A_439 = arith.addf %gather3A_438, %gather3A_418 : vector<16xf32>
        tpu.vector_store_idx %arg12[%add3A_417, %add3A_115], %add3A_439 : memref<64x128xf32, #tpu.memory_space<vmem>>[vector<16xi32>, vector<16xi32>], vector<16xf32>,
        %add3A_440 = arith.addi %mul3A_181, %add3A_417 : vector<16xi32>
        %gather3A_441 = tpu.vector_load_idx %arg10[%add3A_118, %add3A_440] : memref<128x128xf32, #tpu.memory_space<vmem>>[vector<16xi32>, vector<16xi32>], vector<16xf32>,
        %add3A_442 = arith.addf %gather3A_441, %gather3A_418 : vector<16xf32>
        tpu.vector_store_idx %arg12[%add3A_417, %add3A_118], %add3A_442 : memref<64x128xf32, #tpu.memory_space<vmem>>[vector<16xi32>, vector<16xi32>], vector<16xf32>,
      }
      %scan3A_198 = arith.constant 16 : i32
      %mul3A_199 = arith.constant 64 : i32
      %mul3A_200 = arith.muli %mul3A_87, %mul3A_199 : i32
      %dma_start3A_201 = tpu.memref_slice %arg5[%mul3A_200, %mul3A_2] : memref<12800x4096xf32, #tpu.memory_space<hbm>> -> memref<64x128xf32, #tpu.memory_space<hbm>>
      %dma_start3A_202 = tpu.memref_slice %arg5[%mul3A_200, %mul3A_2] : memref<12800x4096xf32, #tpu.memory_space<hbm>> -> memref<64x128xf32, #tpu.memory_space<hbm>>
      tpu.enqueue_dma source(%arg12 : memref<64x128xf32, #tpu.memory_space<vmem>>) target(%dma_start3A_202 : memref<64x128xf32, #tpu.memory_space<hbm>>) target_semaphore(%arg19 : memref<!tpu.dma_semaphore, #tpu.memory_space<semaphore_mem>>)
      %add3A_203 = arith.constant 1 : i32
      %add3A_204 = arith.addi %mul3A_87, %add3A_203 : i32
      %add3A_205 = arith.constant 1 : i32
      %add3A_206 = arith.addi %add3A_204, %add3A_205 : i32
      %lt3A_207 = arith.constant 200 : i32
      %lt3A_208 = arith.cmpi slt, %add3A_206, %lt3A_207 : i32
      %convert_element_type3A_209 = arith.extui %lt3A_208 : i1 to i32
      %cond3A_210 = arith.constant 0 : i32
      %cond3A_211 = arith.cmpi ne, %convert_element_type3A_209, %cond3A_210 : i32
      scf.if %cond3A_211 {
        %add3A_326 = arith.constant 1 : i32
        %add3A_327 = arith.addi %add3A_204, %add3A_326 : i32
        %dma_wait3A_328 = tpu.memref_slice %arg2[%add3A_327, %mul3A_2] : memref<200x4096xi32, #tpu.memory_space<hbm>> -> memref<1x128xi32, #tpu.memory_space<hbm>>
        %dma_wait3A_329 = tpu.memref_squeeze %dma_wait3A_328 : memref<1x128xi32, #tpu.memory_space<hbm>> -> memref<128xi32, #tpu.memory_space<hbm>>
        %dma_wait3A_330 = tpu.memref_slice %arg2[%add3A_327, %mul3A_2] : memref<200x4096xi32, #tpu.memory_space<hbm>> -> memref<1x128xi32, #tpu.memory_space<hbm>>
        %dma_wait3A_331 = tpu.memref_squeeze %dma_wait3A_330 : memref<1x128xi32, #tpu.memory_space<hbm>> -> memref<128xi32, #tpu.memory_space<hbm>>
        tpu.wait_dma2 semaphore(%arg15 : memref<!tpu.dma_semaphore, #tpu.memory_space<semaphore_mem>>) src(%dma_wait3A_331 : memref<128xi32, #tpu.memory_space<hbm>>) dst(%arg6 : memref<128xi32, #tpu.memory_space<vmem>>)
        %get3A_332 = arith.constant 0 : index
        %get3A_333 = tpu.vector_load %arg6[%get3A_332] {strides = array<i32>} : memref<128xi32, #tpu.memory_space<vmem>>, vector<16xi32>,
        %shift_right_logical3A_334 = arith.constant 1 : i32
        %shift_right_logical3A_335 = vector.broadcast %shift_right_logical3A_334 : i32 to vector<16xi32>
        %shift_right_logical3A_336 = arith.shrui %get3A_333, %shift_right_logical3A_335 : vector<16xi32>
        %swap3A_337 = arith.constant 0 : index
        %swap3A_338 = tpu.vector_load %arg8[%swap3A_337] {strides = array<i32>} : memref<128xi32, #tpu.memory_space<vmem>>, vector<16xi32>,
        tpu.vector_store %arg8[%swap3A_337], %shift_right_logical3A_336 {strides = array<i32>} : memref<128xi32, #tpu.memory_space<vmem>>, vector<16xi32>,
        %get3A_339 = arith.constant 16 : index
        %get3A_340 = tpu.vector_load %arg6[%get3A_339] {strides = array<i32>} : memref<128xi32, #tpu.memory_space<vmem>>, vector<16xi32>,
        %shift_right_logical3A_341 = arith.constant 1 : i32
        %shift_right_logical3A_342 = vector.broadcast %shift_right_logical3A_341 : i32 to vector<16xi32>
        %shift_right_logical3A_343 = arith.shrui %get3A_340, %shift_right_logical3A_342 : vector<16xi32>
        %swap3A_344 = arith.constant 16 : index
        %swap3A_345 = tpu.vector_load %arg8[%swap3A_344] {strides = array<i32>} : memref<128xi32, #tpu.memory_space<vmem>>, vector<16xi32>,
        tpu.vector_store %arg8[%swap3A_344], %shift_right_logical3A_343 {strides = array<i32>} : memref<128xi32, #tpu.memory_space<vmem>>, vector<16xi32>,
        %get3A_346 = arith.constant 32 : index
        %get3A_347 = tpu.vector_load %arg6[%get3A_346] {strides = array<i32>} : memref<128xi32, #tpu.memory_space<vmem>>, vector<16xi32>,
        %shift_right_logical3A_348 = arith.constant 1 : i32
        %shift_right_logical3A_349 = vector.broadcast %shift_right_logical3A_348 : i32 to vector<16xi32>
        %shift_right_logical3A_350 = arith.shrui %get3A_347, %shift_right_logical3A_349 : vector<16xi32>
        %swap3A_351 = arith.constant 32 : index
        %swap3A_352 = tpu.vector_load %arg8[%swap3A_351] {strides = array<i32>} : memref<128xi32, #tpu.memory_space<vmem>>, vector<16xi32>,
        tpu.vector_store %arg8[%swap3A_351], %shift_right_logical3A_350 {strides = array<i32>} : memref<128xi32, #tpu.memory_space<vmem>>, vector<16xi32>,
        %get3A_353 = arith.constant 48 : index
        %get3A_354 = tpu.vector_load %arg6[%get3A_353] {strides = array<i32>} : memref<128xi32, #tpu.memory_space<vmem>>, vector<16xi32>,
        %shift_right_logical3A_355 = arith.constant 1 : i32
        %shift_right_logical3A_356 = vector.broadcast %shift_right_logical3A_355 : i32 to vector<16xi32>
        %shift_right_logical3A_357 = arith.shrui %get3A_354, %shift_right_logical3A_356 : vector<16xi32>
        %swap3A_358 = arith.constant 48 : index
        %swap3A_359 = tpu.vector_load %arg8[%swap3A_358] {strides = array<i32>} : memref<128xi32, #tpu.memory_space<vmem>>, vector<16xi32>,
        tpu.vector_store %arg8[%swap3A_358], %shift_right_logical3A_357 {strides = array<i32>} : memref<128xi32, #tpu.memory_space<vmem>>, vector<16xi32>,
        %get3A_360 = arith.constant 64 : index
        %get3A_361 = tpu.vector_load %arg6[%get3A_360] {strides = array<i32>} : memref<128xi32, #tpu.memory_space<vmem>>, vector<16xi32>,
        %shift_right_logical3A_362 = arith.constant 1 : i32
        %shift_right_logical3A_363 = vector.broadcast %shift_right_logical3A_362 : i32 to vector<16xi32>
        %shift_right_logical3A_364 = arith.shrui %get3A_361, %shift_right_logical3A_363 : vector<16xi32>
        %swap3A_365 = arith.constant 64 : index
        %swap3A_366 = tpu.vector_load %arg8[%swap3A_365] {strides = array<i32>} : memref<128xi32, #tpu.memory_space<vmem>>, vector<16xi32>,
        tpu.vector_store %arg8[%swap3A_365], %shift_right_logical3A_364 {strides = array<i32>} : memref<128xi32, #tpu.memory_space<vmem>>, vector<16xi32>,
        %get3A_367 = arith.constant 80 : index
        %get3A_368 = tpu.vector_load %arg6[%get3A_367] {strides = array<i32>} : memref<128xi32, #tpu.memory_space<vmem>>, vector<16xi32>,
        %shift_right_logical3A_369 = arith.constant 1 : i32
        %shift_right_logical3A_370 = vector.broadcast %shift_right_logical3A_369 : i32 to vector<16xi32>
        %shift_right_logical3A_371 = arith.shrui %get3A_368, %shift_right_logical3A_370 : vector<16xi32>
        %swap3A_372 = arith.constant 80 : index
        %swap3A_373 = tpu.vector_load %arg8[%swap3A_372] {strides = array<i32>} : memref<128xi32, #tpu.memory_space<vmem>>, vector<16xi32>,
        tpu.vector_store %arg8[%swap3A_372], %shift_right_logical3A_371 {strides = array<i32>} : memref<128xi32, #tpu.memory_space<vmem>>, vector<16xi32>,
        %get3A_374 = arith.constant 96 : index
        %get3A_375 = tpu.vector_load %arg6[%get3A_374] {strides = array<i32>} : memref<128xi32, #tpu.memory_space<vmem>>, vector<16xi32>,
        %shift_right_logical3A_376 = arith.constant 1 : i32
        %shift_right_logical3A_377 = vector.broadcast %shift_right_logical3A_376 : i32 to vector<16xi32>
        %shift_right_logical3A_378 = arith.shrui %get3A_375, %shift_right_logical3A_377 : vector<16xi32>
        %swap3A_379 = arith.constant 96 : index
        %swap3A_380 = tpu.vector_load %arg8[%swap3A_379] {strides = array<i32>} : memref<128xi32, #tpu.memory_space<vmem>>, vector<16xi32>,
        tpu.vector_store %arg8[%swap3A_379], %shift_right_logical3A_378 {strides = array<i32>} : memref<128xi32, #tpu.memory_space<vmem>>, vector<16xi32>,
        %get3A_381 = arith.constant 112 : index
        %get3A_382 = tpu.vector_load %arg6[%get3A_381] {strides = array<i32>} : memref<128xi32, #tpu.memory_space<vmem>>, vector<16xi32>,
        %shift_right_logical3A_383 = arith.constant 1 : i32
        %shift_right_logical3A_384 = vector.broadcast %shift_right_logical3A_383 : i32 to vector<16xi32>
        %shift_right_logical3A_385 = arith.shrui %get3A_382, %shift_right_logical3A_384 : vector<16xi32>
        %swap3A_386 = arith.constant 112 : index
        %swap3A_387 = tpu.vector_load %arg8[%swap3A_386] {strides = array<i32>} : memref<128xi32, #tpu.memory_space<vmem>>, vector<16xi32>,
        tpu.vector_store %arg8[%swap3A_386], %shift_right_logical3A_385 {strides = array<i32>} : memref<128xi32, #tpu.memory_space<vmem>>, vector<16xi32>,
        %dma_start3A_388 = arith.constant 0 : i32
        %dma_start3A_389 = arith.constant 0 : i32
        %dma_start3A_390 = tpu.memref_slice %arg3[%dma_start3A_388, %dma_start3A_389] : memref<500000x128xf32, #tpu.memory_space<hbm>> -> memref<500000x128xf32, #tpu.memory_space<hbm>>
        tpu.enqueue_indirect_dma source(%dma_start3A_390 : memref<500000x128xf32, #tpu.memory_space<hbm>>) target(%arg10 : memref<128x128xf32, #tpu.memory_space<vmem>>) offsets(%arg8 : memref<128xi32, #tpu.memory_space<vmem>>) semaphore(%arg17 : memref<!tpu.dma_semaphore, #tpu.memory_space<semaphore_mem>>)
      } else {
      }
      %dma_wait3A_212 = arith.constant 0 : i32
      %dma_wait3A_213 = arith.constant 0 : i32
      %dma_wait3A_214 = tpu.memref_slice %arg3[%dma_wait3A_212, %dma_wait3A_213] : memref<500000x128xf32, #tpu.memory_space<hbm>> -> memref<500000x128xf32, #tpu.memory_space<hbm>>
      tpu.wait_indirect_dma semaphore(%arg18 : memref<!tpu.dma_semaphore, #tpu.memory_space<semaphore_mem>>) src(%dma_wait3A_214 : memref<500000x128xf32, #tpu.memory_space<hbm>>) dst(%arg11 : memref<128x128xf32, #tpu.memory_space<vmem>>)
      %add3A_215 = arith.constant 0 : i32
      %add3A_216 = vector.broadcast %add3A_215 : i32 to vector<16xi32>
      %add3A_217 = arith.addi %iota3A, %add3A_216 : vector<16xi32>
      %add3A_218 = arith.constant 16 : i32
      %add3A_219 = vector.broadcast %add3A_218 : i32 to vector<16xi32>
      %add3A_220 = arith.addi %iota3A, %add3A_219 : vector<16xi32>
      %add3A_221 = arith.constant 32 : i32
      %add3A_222 = vector.broadcast %add3A_221 : i32 to vector<16xi32>
      %add3A_223 = arith.addi %iota3A, %add3A_222 : vector<16xi32>
      %add3A_224 = arith.constant 48 : i32
      %add3A_225 = vector.broadcast %add3A_224 : i32 to vector<16xi32>
      %add3A_226 = arith.addi %iota3A, %add3A_225 : vector<16xi32>
      %add3A_227 = arith.constant 64 : i32
      %add3A_228 = vector.broadcast %add3A_227 : i32 to vector<16xi32>
      %add3A_229 = arith.addi %iota3A, %add3A_228 : vector<16xi32>
      %add3A_230 = arith.constant 80 : i32
      %add3A_231 = vector.broadcast %add3A_230 : i32 to vector<16xi32>
      %add3A_232 = arith.addi %iota3A, %add3A_231 : vector<16xi32>
      %add3A_233 = arith.constant 96 : i32
      %add3A_234 = vector.broadcast %add3A_233 : i32 to vector<16xi32>
      %add3A_235 = arith.addi %iota3A, %add3A_234 : vector<16xi32>
      %add3A_236 = arith.constant 112 : i32
      %add3A_237 = vector.broadcast %add3A_236 : i32 to vector<16xi32>
      %add3A_238 = arith.addi %iota3A, %add3A_237 : vector<16xi32>
      %get3A_239 = arith.constant 0 : index
      %get3A_240 = tpu.vector_load %arg7[%get3A_239] {strides = array<i32>} : memref<128xi32, #tpu.memory_space<vmem>>, vector<16xi32>,
      %and3A_241 = arith.constant 1 : i32
      %and3A_242 = vector.broadcast %and3A_241 : i32 to vector<16xi32>
      %and3A_243 = arith.andi %get3A_240, %and3A_242 : vector<16xi32>
      %mul3A_244 = arith.constant 64 : i32
      %mul3A_245 = vector.broadcast %mul3A_244 : i32 to vector<16xi32>
      %mul3A_246 = arith.muli %and3A_243, %mul3A_245 : vector<16xi32>
      %get3A_247 = arith.constant 16 : index
      %get3A_248 = tpu.vector_load %arg7[%get3A_247] {strides = array<i32>} : memref<128xi32, #tpu.memory_space<vmem>>, vector<16xi32>,
      %and3A_249 = arith.constant 1 : i32
      %and3A_250 = vector.broadcast %and3A_249 : i32 to vector<16xi32>
      %and3A_251 = arith.andi %get3A_248, %and3A_250 : vector<16xi32>
      %mul3A_252 = arith.constant 64 : i32
      %mul3A_253 = vector.broadcast %mul3A_252 : i32 to vector<16xi32>
      %mul3A_254 = arith.muli %and3A_251, %mul3A_253 : vector<16xi32>
      %get3A_255 = arith.constant 32 : index
      %get3A_256 = tpu.vector_load %arg7[%get3A_255] {strides = array<i32>} : memref<128xi32, #tpu.memory_space<vmem>>, vector<16xi32>,
      %and3A_257 = arith.constant 1 : i32
      %and3A_258 = vector.broadcast %and3A_257 : i32 to vector<16xi32>
      %and3A_259 = arith.andi %get3A_256, %and3A_258 : vector<16xi32>
      %mul3A_260 = arith.constant 64 : i32
      %mul3A_261 = vector.broadcast %mul3A_260 : i32 to vector<16xi32>
      %mul3A_262 = arith.muli %and3A_259, %mul3A_261 : vector<16xi32>
      %get3A_263 = arith.constant 48 : index
      %get3A_264 = tpu.vector_load %arg7[%get3A_263] {strides = array<i32>} : memref<128xi32, #tpu.memory_space<vmem>>, vector<16xi32>,
      %and3A_265 = arith.constant 1 : i32
      %and3A_266 = vector.broadcast %and3A_265 : i32 to vector<16xi32>
      %and3A_267 = arith.andi %get3A_264, %and3A_266 : vector<16xi32>
      %mul3A_268 = arith.constant 64 : i32
      %mul3A_269 = vector.broadcast %mul3A_268 : i32 to vector<16xi32>
      %mul3A_270 = arith.muli %and3A_267, %mul3A_269 : vector<16xi32>
      %get3A_271 = arith.constant 64 : index
      %get3A_272 = tpu.vector_load %arg7[%get3A_271] {strides = array<i32>} : memref<128xi32, #tpu.memory_space<vmem>>, vector<16xi32>,
      %and3A_273 = arith.constant 1 : i32
      %and3A_274 = vector.broadcast %and3A_273 : i32 to vector<16xi32>
      %and3A_275 = arith.andi %get3A_272, %and3A_274 : vector<16xi32>
      %mul3A_276 = arith.constant 64 : i32
      %mul3A_277 = vector.broadcast %mul3A_276 : i32 to vector<16xi32>
      %mul3A_278 = arith.muli %and3A_275, %mul3A_277 : vector<16xi32>
      %get3A_279 = arith.constant 80 : index
      %get3A_280 = tpu.vector_load %arg7[%get3A_279] {strides = array<i32>} : memref<128xi32, #tpu.memory_space<vmem>>, vector<16xi32>,
      %and3A_281 = arith.constant 1 : i32
      %and3A_282 = vector.broadcast %and3A_281 : i32 to vector<16xi32>
      %and3A_283 = arith.andi %get3A_280, %and3A_282 : vector<16xi32>
      %mul3A_284 = arith.constant 64 : i32
      %mul3A_285 = vector.broadcast %mul3A_284 : i32 to vector<16xi32>
      %mul3A_286 = arith.muli %and3A_283, %mul3A_285 : vector<16xi32>
      %get3A_287 = arith.constant 96 : index
      %get3A_288 = tpu.vector_load %arg7[%get3A_287] {strides = array<i32>} : memref<128xi32, #tpu.memory_space<vmem>>, vector<16xi32>,
      %and3A_289 = arith.constant 1 : i32
      %and3A_290 = vector.broadcast %and3A_289 : i32 to vector<16xi32>
      %and3A_291 = arith.andi %get3A_288, %and3A_290 : vector<16xi32>
      %mul3A_292 = arith.constant 64 : i32
      %mul3A_293 = vector.broadcast %mul3A_292 : i32 to vector<16xi32>
      %mul3A_294 = arith.muli %and3A_291, %mul3A_293 : vector<16xi32>
      %get3A_295 = arith.constant 112 : index
      %get3A_296 = tpu.vector_load %arg7[%get3A_295] {strides = array<i32>} : memref<128xi32, #tpu.memory_space<vmem>>, vector<16xi32>,
      %and3A_297 = arith.constant 1 : i32
      %and3A_298 = vector.broadcast %and3A_297 : i32 to vector<16xi32>
      %and3A_299 = arith.andi %get3A_296, %and3A_298 : vector<16xi32>
      %mul3A_300 = arith.constant 64 : i32
      %mul3A_301 = vector.broadcast %mul3A_300 : i32 to vector<16xi32>
      %mul3A_302 = arith.muli %and3A_299, %mul3A_301 : vector<16xi32>
      %add3A_303 = arith.constant 2 : i32
      %add3A_304 = arith.addi %add3A_204, %add3A_303 : i32
      %lt3A_305 = arith.constant 200 : i32
      %lt3A_306 = arith.cmpi slt, %add3A_304, %lt3A_305 : i32
      %convert_element_type3A_307 = arith.extui %lt3A_306 : i1 to i32
      %cond3A_308 = arith.constant 0 : i32
      %cond3A_309 = arith.cmpi ne, %convert_element_type3A_307, %cond3A_308 : i32
      scf.if %cond3A_309 {
        %add3A_326 = arith.constant 2 : i32
        %add3A_327 = arith.addi %add3A_204, %add3A_326 : i32
        %dma_start3A_328 = tpu.memref_slice %arg2[%add3A_327, %mul3A_2] : memref<200x4096xi32, #tpu.memory_space<hbm>> -> memref<1x128xi32, #tpu.memory_space<hbm>>
        %dma_start3A_329 = tpu.memref_squeeze %dma_start3A_328 : memref<1x128xi32, #tpu.memory_space<hbm>> -> memref<128xi32, #tpu.memory_space<hbm>>
        %dma_start3A_330 = tpu.memref_slice %arg2[%add3A_327, %mul3A_2] : memref<200x4096xi32, #tpu.memory_space<hbm>> -> memref<1x128xi32, #tpu.memory_space<hbm>>
        %dma_start3A_331 = tpu.memref_squeeze %dma_start3A_330 : memref<1x128xi32, #tpu.memory_space<hbm>> -> memref<128xi32, #tpu.memory_space<hbm>>
        tpu.enqueue_dma source(%dma_start3A_331 : memref<128xi32, #tpu.memory_space<hbm>>) target(%arg7 : memref<128xi32, #tpu.memory_space<vmem>>) target_semaphore(%arg16 : memref<!tpu.dma_semaphore, #tpu.memory_space<semaphore_mem>>)
      } else {
      }
      %ge3A_310 = arith.constant 2 : i32
      %ge3A_311 = arith.cmpi sge, %add3A_204, %ge3A_310 : i32
      %convert_element_type3A_312 = arith.extui %ge3A_311 : i1 to i32
      %cond3A_313 = arith.constant 0 : i32
      %cond3A_314 = arith.cmpi ne, %convert_element_type3A_312, %cond3A_313 : i32
      scf.if %cond3A_314 {
        %sub3A = arith.constant 2 : i32
        %sub3A_326 = arith.subi %add3A_204, %sub3A : i32
        %mul3A_327 = arith.constant 64 : i32
        %mul3A_328 = arith.muli %sub3A_326, %mul3A_327 : i32
        %dma_wait3A_329 = tpu.memref_slice %arg5[%mul3A_328, %mul3A_2] : memref<12800x4096xf32, #tpu.memory_space<hbm>> -> memref<64x128xf32, #tpu.memory_space<hbm>>
        %dma_wait3A_330 = tpu.memref_slice %arg5[%mul3A_328, %mul3A_2] : memref<12800x4096xf32, #tpu.memory_space<hbm>> -> memref<64x128xf32, #tpu.memory_space<hbm>>
        tpu.wait_dma2 semaphore(%arg20 : memref<!tpu.dma_semaphore, #tpu.memory_space<semaphore_mem>>) src(%arg13 : memref<64x128xf32, #tpu.memory_space<vmem>>) dst(%dma_wait3A_330 : memref<64x128xf32, #tpu.memory_space<hbm>>)
      } else {
      }
      %broadcast_in_dim3A_315 = vector.broadcast %add3A_204 : i32 to vector<16xi32>
      %scan3A_316 = arith.constant 0 : i32
      %scan3A_317 = arith.constant 0 : i32
      %scan3A_318 = arith.constant 16 : i32
      %scan3A_319 = arith.addi %scan3A_317, %scan3A_318 : i32
      %scan3A_320 = arith.constant 1 : i32
      scf.for %scan3A_326 = %scan3A_317 to %scan3A_319 step %scan3A_320  : i32 {
        %add3A_327 = vector.broadcast %scan3A_326 : i32 to vector<16xi32>
        %add3A_328 = arith.addi %add3A_327, %iota3A : vector<16xi32>
        %and3A_329 = arith.constant 15 : i32
        %and3A_330 = vector.broadcast %and3A_329 : i32 to vector<16xi32>
        %and3A_331 = arith.andi %add3A_328, %and3A_330 : vector<16xi32>
        %add3A_332 = arith.constant 0 : i32
        %add3A_333 = vector.broadcast %add3A_332 : i32 to vector<16xi32>
        %add3A_334 = arith.addi %add3A_333, %and3A_331 : vector<16xi32>
        %gather3A = tpu.vector_load_idx %arg14[%broadcast_in_dim3A_315, %add3A_334] : memref<200x64xf32, #tpu.memory_space<vmem>>[vector<16xi32>, vector<16xi32>], vector<16xf32>,
        %add3A_335 = arith.addi %mul3A_246, %add3A_334 : vector<16xi32>
        %gather3A_336 = tpu.vector_load_idx %arg11[%add3A_217, %add3A_335] : memref<128x128xf32, #tpu.memory_space<vmem>>[vector<16xi32>, vector<16xi32>], vector<16xf32>,
        %add3A_337 = arith.addf %gather3A_336, %gather3A : vector<16xf32>
        tpu.vector_store_idx %arg13[%add3A_334, %add3A_217], %add3A_337 : memref<64x128xf32, #tpu.memory_space<vmem>>[vector<16xi32>, vector<16xi32>], vector<16xf32>,
        %add3A_338 = arith.addi %mul3A_254, %add3A_334 : vector<16xi32>
        %gather3A_339 = tpu.vector_load_idx %arg11[%add3A_220, %add3A_338] : memref<128x128xf32, #tpu.memory_space<vmem>>[vector<16xi32>, vector<16xi32>], vector<16xf32>,
        %add3A_340 = arith.addf %gather3A_339, %gather3A : vector<16xf32>
        tpu.vector_store_idx %arg13[%add3A_334, %add3A_220], %add3A_340 : memref<64x128xf32, #tpu.memory_space<vmem>>[vector<16xi32>, vector<16xi32>], vector<16xf32>,
        %add3A_341 = arith.addi %mul3A_262, %add3A_334 : vector<16xi32>
        %gather3A_342 = tpu.vector_load_idx %arg11[%add3A_223, %add3A_341] : memref<128x128xf32, #tpu.memory_space<vmem>>[vector<16xi32>, vector<16xi32>], vector<16xf32>,
        %add3A_343 = arith.addf %gather3A_342, %gather3A : vector<16xf32>
        tpu.vector_store_idx %arg13[%add3A_334, %add3A_223], %add3A_343 : memref<64x128xf32, #tpu.memory_space<vmem>>[vector<16xi32>, vector<16xi32>], vector<16xf32>,
        %add3A_344 = arith.addi %mul3A_270, %add3A_334 : vector<16xi32>
        %gather3A_345 = tpu.vector_load_idx %arg11[%add3A_226, %add3A_344] : memref<128x128xf32, #tpu.memory_space<vmem>>[vector<16xi32>, vector<16xi32>], vector<16xf32>,
        %add3A_346 = arith.addf %gather3A_345, %gather3A : vector<16xf32>
        tpu.vector_store_idx %arg13[%add3A_334, %add3A_226], %add3A_346 : memref<64x128xf32, #tpu.memory_space<vmem>>[vector<16xi32>, vector<16xi32>], vector<16xf32>,
        %add3A_347 = arith.addi %mul3A_278, %add3A_334 : vector<16xi32>
        %gather3A_348 = tpu.vector_load_idx %arg11[%add3A_229, %add3A_347] : memref<128x128xf32, #tpu.memory_space<vmem>>[vector<16xi32>, vector<16xi32>], vector<16xf32>,
        %add3A_349 = arith.addf %gather3A_348, %gather3A : vector<16xf32>
        tpu.vector_store_idx %arg13[%add3A_334, %add3A_229], %add3A_349 : memref<64x128xf32, #tpu.memory_space<vmem>>[vector<16xi32>, vector<16xi32>], vector<16xf32>,
        %add3A_350 = arith.addi %mul3A_286, %add3A_334 : vector<16xi32>
        %gather3A_351 = tpu.vector_load_idx %arg11[%add3A_232, %add3A_350] : memref<128x128xf32, #tpu.memory_space<vmem>>[vector<16xi32>, vector<16xi32>], vector<16xf32>,
        %add3A_352 = arith.addf %gather3A_351, %gather3A : vector<16xf32>
        tpu.vector_store_idx %arg13[%add3A_334, %add3A_232], %add3A_352 : memref<64x128xf32, #tpu.memory_space<vmem>>[vector<16xi32>, vector<16xi32>], vector<16xf32>,
        %add3A_353 = arith.addi %mul3A_294, %add3A_334 : vector<16xi32>
        %gather3A_354 = tpu.vector_load_idx %arg11[%add3A_235, %add3A_353] : memref<128x128xf32, #tpu.memory_space<vmem>>[vector<16xi32>, vector<16xi32>], vector<16xf32>,
        %add3A_355 = arith.addf %gather3A_354, %gather3A : vector<16xf32>
        tpu.vector_store_idx %arg13[%add3A_334, %add3A_235], %add3A_355 : memref<64x128xf32, #tpu.memory_space<vmem>>[vector<16xi32>, vector<16xi32>], vector<16xf32>,
        %add3A_356 = arith.addi %mul3A_302, %add3A_334 : vector<16xi32>
        %gather3A_357 = tpu.vector_load_idx %arg11[%add3A_238, %add3A_356] : memref<128x128xf32, #tpu.memory_space<vmem>>[vector<16xi32>, vector<16xi32>], vector<16xf32>,
        %add3A_358 = arith.addf %gather3A_357, %gather3A : vector<16xf32>
        tpu.vector_store_idx %arg13[%add3A_334, %add3A_238], %add3A_358 : memref<64x128xf32, #tpu.memory_space<vmem>>[vector<16xi32>, vector<16xi32>], vector<16xf32>,
        %add3A_359 = arith.constant 16 : i32
        %add3A_360 = vector.broadcast %add3A_359 : i32 to vector<16xi32>
        %add3A_361 = arith.addi %add3A_360, %and3A_331 : vector<16xi32>
        %gather3A_362 = tpu.vector_load_idx %arg14[%broadcast_in_dim3A_315, %add3A_361] : memref<200x64xf32, #tpu.memory_space<vmem>>[vector<16xi32>, vector<16xi32>], vector<16xf32>,
        %add3A_363 = arith.addi %mul3A_246, %add3A_361 : vector<16xi32>
        %gather3A_364 = tpu.vector_load_idx %arg11[%add3A_217, %add3A_363] : memref<128x128xf32, #tpu.memory_space<vmem>>[vector<16xi32>, vector<16xi32>], vector<16xf32>,
        %add3A_365 = arith.addf %gather3A_364, %gather3A_362 : vector<16xf32>
        tpu.vector_store_idx %arg13[%add3A_361, %add3A_217], %add3A_365 : memref<64x128xf32, #tpu.memory_space<vmem>>[vector<16xi32>, vector<16xi32>], vector<16xf32>,
        %add3A_366 = arith.addi %mul3A_254, %add3A_361 : vector<16xi32>
        %gather3A_367 = tpu.vector_load_idx %arg11[%add3A_220, %add3A_366] : memref<128x128xf32, #tpu.memory_space<vmem>>[vector<16xi32>, vector<16xi32>], vector<16xf32>,
        %add3A_368 = arith.addf %gather3A_367, %gather3A_362 : vector<16xf32>
        tpu.vector_store_idx %arg13[%add3A_361, %add3A_220], %add3A_368 : memref<64x128xf32, #tpu.memory_space<vmem>>[vector<16xi32>, vector<16xi32>], vector<16xf32>,
        %add3A_369 = arith.addi %mul3A_262, %add3A_361 : vector<16xi32>
        %gather3A_370 = tpu.vector_load_idx %arg11[%add3A_223, %add3A_369] : memref<128x128xf32, #tpu.memory_space<vmem>>[vector<16xi32>, vector<16xi32>], vector<16xf32>,
        %add3A_371 = arith.addf %gather3A_370, %gather3A_362 : vector<16xf32>
        tpu.vector_store_idx %arg13[%add3A_361, %add3A_223], %add3A_371 : memref<64x128xf32, #tpu.memory_space<vmem>>[vector<16xi32>, vector<16xi32>], vector<16xf32>,
        %add3A_372 = arith.addi %mul3A_270, %add3A_361 : vector<16xi32>
        %gather3A_373 = tpu.vector_load_idx %arg11[%add3A_226, %add3A_372] : memref<128x128xf32, #tpu.memory_space<vmem>>[vector<16xi32>, vector<16xi32>], vector<16xf32>,
        %add3A_374 = arith.addf %gather3A_373, %gather3A_362 : vector<16xf32>
        tpu.vector_store_idx %arg13[%add3A_361, %add3A_226], %add3A_374 : memref<64x128xf32, #tpu.memory_space<vmem>>[vector<16xi32>, vector<16xi32>], vector<16xf32>,
        %add3A_375 = arith.addi %mul3A_278, %add3A_361 : vector<16xi32>
        %gather3A_376 = tpu.vector_load_idx %arg11[%add3A_229, %add3A_375] : memref<128x128xf32, #tpu.memory_space<vmem>>[vector<16xi32>, vector<16xi32>], vector<16xf32>,
        %add3A_377 = arith.addf %gather3A_376, %gather3A_362 : vector<16xf32>
        tpu.vector_store_idx %arg13[%add3A_361, %add3A_229], %add3A_377 : memref<64x128xf32, #tpu.memory_space<vmem>>[vector<16xi32>, vector<16xi32>], vector<16xf32>,
        %add3A_378 = arith.addi %mul3A_286, %add3A_361 : vector<16xi32>
        %gather3A_379 = tpu.vector_load_idx %arg11[%add3A_232, %add3A_378] : memref<128x128xf32, #tpu.memory_space<vmem>>[vector<16xi32>, vector<16xi32>], vector<16xf32>,
        %add3A_380 = arith.addf %gather3A_379, %gather3A_362 : vector<16xf32>
        tpu.vector_store_idx %arg13[%add3A_361, %add3A_232], %add3A_380 : memref<64x128xf32, #tpu.memory_space<vmem>>[vector<16xi32>, vector<16xi32>], vector<16xf32>,
        %add3A_381 = arith.addi %mul3A_294, %add3A_361 : vector<16xi32>
        %gather3A_382 = tpu.vector_load_idx %arg11[%add3A_235, %add3A_381] : memref<128x128xf32, #tpu.memory_space<vmem>>[vector<16xi32>, vector<16xi32>], vector<16xf32>,
        %add3A_383 = arith.addf %gather3A_382, %gather3A_362 : vector<16xf32>
        tpu.vector_store_idx %arg13[%add3A_361, %add3A_235], %add3A_383 : memref<64x128xf32, #tpu.memory_space<vmem>>[vector<16xi32>, vector<16xi32>], vector<16xf32>,
        %add3A_384 = arith.addi %mul3A_302, %add3A_361 : vector<16xi32>
        %gather3A_385 = tpu.vector_load_idx %arg11[%add3A_238, %add3A_384] : memref<128x128xf32, #tpu.memory_space<vmem>>[vector<16xi32>, vector<16xi32>], vector<16xf32>,
        %add3A_386 = arith.addf %gather3A_385, %gather3A_362 : vector<16xf32>
        tpu.vector_store_idx %arg13[%add3A_361, %add3A_238], %add3A_386 : memref<64x128xf32, #tpu.memory_space<vmem>>[vector<16xi32>, vector<16xi32>], vector<16xf32>,
        %add3A_387 = arith.constant 32 : i32
        %add3A_388 = vector.broadcast %add3A_387 : i32 to vector<16xi32>
        %add3A_389 = arith.addi %add3A_388, %and3A_331 : vector<16xi32>
        %gather3A_390 = tpu.vector_load_idx %arg14[%broadcast_in_dim3A_315, %add3A_389] : memref<200x64xf32, #tpu.memory_space<vmem>>[vector<16xi32>, vector<16xi32>], vector<16xf32>,
        %add3A_391 = arith.addi %mul3A_246, %add3A_389 : vector<16xi32>
        %gather3A_392 = tpu.vector_load_idx %arg11[%add3A_217, %add3A_391] : memref<128x128xf32, #tpu.memory_space<vmem>>[vector<16xi32>, vector<16xi32>], vector<16xf32>,
        %add3A_393 = arith.addf %gather3A_392, %gather3A_390 : vector<16xf32>
        tpu.vector_store_idx %arg13[%add3A_389, %add3A_217], %add3A_393 : memref<64x128xf32, #tpu.memory_space<vmem>>[vector<16xi32>, vector<16xi32>], vector<16xf32>,
        %add3A_394 = arith.addi %mul3A_254, %add3A_389 : vector<16xi32>
        %gather3A_395 = tpu.vector_load_idx %arg11[%add3A_220, %add3A_394] : memref<128x128xf32, #tpu.memory_space<vmem>>[vector<16xi32>, vector<16xi32>], vector<16xf32>,
        %add3A_396 = arith.addf %gather3A_395, %gather3A_390 : vector<16xf32>
        tpu.vector_store_idx %arg13[%add3A_389, %add3A_220], %add3A_396 : memref<64x128xf32, #tpu.memory_space<vmem>>[vector<16xi32>, vector<16xi32>], vector<16xf32>,
        %add3A_397 = arith.addi %mul3A_262, %add3A_389 : vector<16xi32>
        %gather3A_398 = tpu.vector_load_idx %arg11[%add3A_223, %add3A_397] : memref<128x128xf32, #tpu.memory_space<vmem>>[vector<16xi32>, vector<16xi32>], vector<16xf32>,
        %add3A_399 = arith.addf %gather3A_398, %gather3A_390 : vector<16xf32>
        tpu.vector_store_idx %arg13[%add3A_389, %add3A_223], %add3A_399 : memref<64x128xf32, #tpu.memory_space<vmem>>[vector<16xi32>, vector<16xi32>], vector<16xf32>,
        %add3A_400 = arith.addi %mul3A_270, %add3A_389 : vector<16xi32>
        %gather3A_401 = tpu.vector_load_idx %arg11[%add3A_226, %add3A_400] : memref<128x128xf32, #tpu.memory_space<vmem>>[vector<16xi32>, vector<16xi32>], vector<16xf32>,
        %add3A_402 = arith.addf %gather3A_401, %gather3A_390 : vector<16xf32>
        tpu.vector_store_idx %arg13[%add3A_389, %add3A_226], %add3A_402 : memref<64x128xf32, #tpu.memory_space<vmem>>[vector<16xi32>, vector<16xi32>], vector<16xf32>,
        %add3A_403 = arith.addi %mul3A_278, %add3A_389 : vector<16xi32>
        %gather3A_404 = tpu.vector_load_idx %arg11[%add3A_229, %add3A_403] : memref<128x128xf32, #tpu.memory_space<vmem>>[vector<16xi32>, vector<16xi32>], vector<16xf32>,
        %add3A_405 = arith.addf %gather3A_404, %gather3A_390 : vector<16xf32>
        tpu.vector_store_idx %arg13[%add3A_389, %add3A_229], %add3A_405 : memref<64x128xf32, #tpu.memory_space<vmem>>[vector<16xi32>, vector<16xi32>], vector<16xf32>,
        %add3A_406 = arith.addi %mul3A_286, %add3A_389 : vector<16xi32>
        %gather3A_407 = tpu.vector_load_idx %arg11[%add3A_232, %add3A_406] : memref<128x128xf32, #tpu.memory_space<vmem>>[vector<16xi32>, vector<16xi32>], vector<16xf32>,
        %add3A_408 = arith.addf %gather3A_407, %gather3A_390 : vector<16xf32>
        tpu.vector_store_idx %arg13[%add3A_389, %add3A_232], %add3A_408 : memref<64x128xf32, #tpu.memory_space<vmem>>[vector<16xi32>, vector<16xi32>], vector<16xf32>,
        %add3A_409 = arith.addi %mul3A_294, %add3A_389 : vector<16xi32>
        %gather3A_410 = tpu.vector_load_idx %arg11[%add3A_235, %add3A_409] : memref<128x128xf32, #tpu.memory_space<vmem>>[vector<16xi32>, vector<16xi32>], vector<16xf32>,
        %add3A_411 = arith.addf %gather3A_410, %gather3A_390 : vector<16xf32>
        tpu.vector_store_idx %arg13[%add3A_389, %add3A_235], %add3A_411 : memref<64x128xf32, #tpu.memory_space<vmem>>[vector<16xi32>, vector<16xi32>], vector<16xf32>,
        %add3A_412 = arith.addi %mul3A_302, %add3A_389 : vector<16xi32>
        %gather3A_413 = tpu.vector_load_idx %arg11[%add3A_238, %add3A_412] : memref<128x128xf32, #tpu.memory_space<vmem>>[vector<16xi32>, vector<16xi32>], vector<16xf32>,
        %add3A_414 = arith.addf %gather3A_413, %gather3A_390 : vector<16xf32>
        tpu.vector_store_idx %arg13[%add3A_389, %add3A_238], %add3A_414 : memref<64x128xf32, #tpu.memory_space<vmem>>[vector<16xi32>, vector<16xi32>], vector<16xf32>,
        %add3A_415 = arith.constant 48 : i32
        %add3A_416 = vector.broadcast %add3A_415 : i32 to vector<16xi32>
        %add3A_417 = arith.addi %add3A_416, %and3A_331 : vector<16xi32>
        %gather3A_418 = tpu.vector_load_idx %arg14[%broadcast_in_dim3A_315, %add3A_417] : memref<200x64xf32, #tpu.memory_space<vmem>>[vector<16xi32>, vector<16xi32>], vector<16xf32>,
        %add3A_419 = arith.addi %mul3A_246, %add3A_417 : vector<16xi32>
        %gather3A_420 = tpu.vector_load_idx %arg11[%add3A_217, %add3A_419] : memref<128x128xf32, #tpu.memory_space<vmem>>[vector<16xi32>, vector<16xi32>], vector<16xf32>,
        %add3A_421 = arith.addf %gather3A_420, %gather3A_418 : vector<16xf32>
        tpu.vector_store_idx %arg13[%add3A_417, %add3A_217], %add3A_421 : memref<64x128xf32, #tpu.memory_space<vmem>>[vector<16xi32>, vector<16xi32>], vector<16xf32>,
        %add3A_422 = arith.addi %mul3A_254, %add3A_417 : vector<16xi32>
        %gather3A_423 = tpu.vector_load_idx %arg11[%add3A_220, %add3A_422] : memref<128x128xf32, #tpu.memory_space<vmem>>[vector<16xi32>, vector<16xi32>], vector<16xf32>,
        %add3A_424 = arith.addf %gather3A_423, %gather3A_418 : vector<16xf32>
        tpu.vector_store_idx %arg13[%add3A_417, %add3A_220], %add3A_424 : memref<64x128xf32, #tpu.memory_space<vmem>>[vector<16xi32>, vector<16xi32>], vector<16xf32>,
        %add3A_425 = arith.addi %mul3A_262, %add3A_417 : vector<16xi32>
        %gather3A_426 = tpu.vector_load_idx %arg11[%add3A_223, %add3A_425] : memref<128x128xf32, #tpu.memory_space<vmem>>[vector<16xi32>, vector<16xi32>], vector<16xf32>,
        %add3A_427 = arith.addf %gather3A_426, %gather3A_418 : vector<16xf32>
        tpu.vector_store_idx %arg13[%add3A_417, %add3A_223], %add3A_427 : memref<64x128xf32, #tpu.memory_space<vmem>>[vector<16xi32>, vector<16xi32>], vector<16xf32>,
        %add3A_428 = arith.addi %mul3A_270, %add3A_417 : vector<16xi32>
        %gather3A_429 = tpu.vector_load_idx %arg11[%add3A_226, %add3A_428] : memref<128x128xf32, #tpu.memory_space<vmem>>[vector<16xi32>, vector<16xi32>], vector<16xf32>,
        %add3A_430 = arith.addf %gather3A_429, %gather3A_418 : vector<16xf32>
        tpu.vector_store_idx %arg13[%add3A_417, %add3A_226], %add3A_430 : memref<64x128xf32, #tpu.memory_space<vmem>>[vector<16xi32>, vector<16xi32>], vector<16xf32>,
        %add3A_431 = arith.addi %mul3A_278, %add3A_417 : vector<16xi32>
        %gather3A_432 = tpu.vector_load_idx %arg11[%add3A_229, %add3A_431] : memref<128x128xf32, #tpu.memory_space<vmem>>[vector<16xi32>, vector<16xi32>], vector<16xf32>,
        %add3A_433 = arith.addf %gather3A_432, %gather3A_418 : vector<16xf32>
        tpu.vector_store_idx %arg13[%add3A_417, %add3A_229], %add3A_433 : memref<64x128xf32, #tpu.memory_space<vmem>>[vector<16xi32>, vector<16xi32>], vector<16xf32>,
        %add3A_434 = arith.addi %mul3A_286, %add3A_417 : vector<16xi32>
        %gather3A_435 = tpu.vector_load_idx %arg11[%add3A_232, %add3A_434] : memref<128x128xf32, #tpu.memory_space<vmem>>[vector<16xi32>, vector<16xi32>], vector<16xf32>,
        %add3A_436 = arith.addf %gather3A_435, %gather3A_418 : vector<16xf32>
        tpu.vector_store_idx %arg13[%add3A_417, %add3A_232], %add3A_436 : memref<64x128xf32, #tpu.memory_space<vmem>>[vector<16xi32>, vector<16xi32>], vector<16xf32>,
        %add3A_437 = arith.addi %mul3A_294, %add3A_417 : vector<16xi32>
        %gather3A_438 = tpu.vector_load_idx %arg11[%add3A_235, %add3A_437] : memref<128x128xf32, #tpu.memory_space<vmem>>[vector<16xi32>, vector<16xi32>], vector<16xf32>,
        %add3A_439 = arith.addf %gather3A_438, %gather3A_418 : vector<16xf32>
        tpu.vector_store_idx %arg13[%add3A_417, %add3A_235], %add3A_439 : memref<64x128xf32, #tpu.memory_space<vmem>>[vector<16xi32>, vector<16xi32>], vector<16xf32>,
        %add3A_440 = arith.addi %mul3A_302, %add3A_417 : vector<16xi32>
        %gather3A_441 = tpu.vector_load_idx %arg11[%add3A_238, %add3A_440] : memref<128x128xf32, #tpu.memory_space<vmem>>[vector<16xi32>, vector<16xi32>], vector<16xf32>,
        %add3A_442 = arith.addf %gather3A_441, %gather3A_418 : vector<16xf32>
        tpu.vector_store_idx %arg13[%add3A_417, %add3A_238], %add3A_442 : memref<64x128xf32, #tpu.memory_space<vmem>>[vector<16xi32>, vector<16xi32>], vector<16xf32>,
      }
      %scan3A_321 = arith.constant 16 : i32
      %mul3A_322 = arith.constant 64 : i32
      %mul3A_323 = arith.muli %add3A_204, %mul3A_322 : i32
      %dma_start3A_324 = tpu.memref_slice %arg5[%mul3A_323, %mul3A_2] : memref<12800x4096xf32, #tpu.memory_space<hbm>> -> memref<64x128xf32, #tpu.memory_space<hbm>>
      %dma_start3A_325 = tpu.memref_slice %arg5[%mul3A_323, %mul3A_2] : memref<12800x4096xf32, #tpu.memory_space<hbm>> -> memref<64x128xf32, #tpu.memory_space<hbm>>
      tpu.enqueue_dma source(%arg13 : memref<64x128xf32, #tpu.memory_space<vmem>>) target(%dma_start3A_325 : memref<64x128xf32, #tpu.memory_space<hbm>>) target_semaphore(%arg20 : memref<!tpu.dma_semaphore, #tpu.memory_space<semaphore_mem>>)
    }
    %scan3A_76 = arith.constant 100 : i32
    %dma_wait3A_77 = arith.constant 12672 : i32
    %dma_wait3A_78 = tpu.memref_slice %arg5[%dma_wait3A_77, %mul3A_2] : memref<12800x4096xf32, #tpu.memory_space<hbm>> -> memref<64x128xf32, #tpu.memory_space<hbm>>
    %dma_wait3A_79 = arith.constant 12672 : i32
    %dma_wait3A_80 = tpu.memref_slice %arg5[%dma_wait3A_79, %mul3A_2] : memref<12800x4096xf32, #tpu.memory_space<hbm>> -> memref<64x128xf32, #tpu.memory_space<hbm>>
    tpu.wait_dma2 semaphore(%arg19 : memref<!tpu.dma_semaphore, #tpu.memory_space<semaphore_mem>>) src(%arg12 : memref<64x128xf32, #tpu.memory_space<vmem>>) dst(%dma_wait3A_80 : memref<64x128xf32, #tpu.memory_space<hbm>>)
    %dma_wait3A_81 = arith.constant 12736 : i32
    %dma_wait3A_82 = tpu.memref_slice %arg5[%dma_wait3A_81, %mul3A_2] : memref<12800x4096xf32, #tpu.memory_space<hbm>> -> memref<64x128xf32, #tpu.memory_space<hbm>>
    %dma_wait3A_83 = arith.constant 12736 : i32
    %dma_wait3A_84 = tpu.memref_slice %arg5[%dma_wait3A_83, %mul3A_2] : memref<12800x4096xf32, #tpu.memory_space<hbm>> -> memref<64x128xf32, #tpu.memory_space<hbm>>
    tpu.wait_dma2 semaphore(%arg20 : memref<!tpu.dma_semaphore, #tpu.memory_space<semaphore_mem>>) src(%arg13 : memref<64x128xf32, #tpu.memory_space<vmem>>) dst(%dma_wait3A_84 : memref<64x128xf32, #tpu.memory_space<hbm>>)
    return
  }
}

</mosaic_0001>

<sc_bundles>
// kernel: kernel.3.cloned.1.call-start
scs
__scs_entry_jumppad:
0x0: {  	(pc) =	sbr.rel $0x88, $3  }
0x1: {  	(tag) =	ssettag $0x0;
	lr =	simm.s32 $0x1  }
0x2: {  	[smem:$0x3F9E] =	sst lr;
	_ =	strace $0xD0000000  }
0x3: {  	_ = 	snop  }
0x4: {  	_ = 	snop  }
0x5: {  	_ = 	snop  }
0x6: {  	_ = 	snop  }
0x7: {  	_ = 	snop  }
__scs_overlays_trampoline_lowered:
0x8: {  	[smem:$0x3FAD] =	sst s0  }
0x9: {  	[smem:$0x3FAE] =	sst s1  }
0xa: {  	[smem:$0x3FAF] =	sst s2  }
0xb: {  	[smem:$0x3FB0] =	sst s3  }
0xc: {  	[smem:$0x3FB1] =	sst s4  }
0xd: {  	[smem:$0x3FB2] =	sst s5  }
0xe: {  	[smem:$0x3FB3] =	sst s6  }
0xf: {  	[smem:$0x3FB4] =	sst s7  }
0x10: {  	[smem:$0x3FB5] =	sst s8  }
0x11: {  	[smem:$0x3FB6] =	sst s9;
	s0 =	simm.s32 @!p0 $0x0  }
0x12: {  	s1 =	sld [smem:$0x3F9C];
	s0 =	simm.s32 @p0 $0x1  }
0x13: {  	[smem:$0x3FB7] =	sst s0;
	s0 =	simm.s32 @!p1 $0x0  }
0x14: {  	s2 =	sld [smem:$0x3F9B];
	s0 =	simm.s32 @p1 $0x1  }
0x15: {  	[smem:$0x3FB8] =	sst s0;
	s0 =	simm.s32 @!p2 $0x0  }
0x16: {  	s3 =	sld [smem:$0x3FDB];
	s0 =	simm.s32 @p2 $0x1  }
0x17: {  	s4 =	simm.s32 $0x1BF5;
	[smem:$0x3FBA] =	sst s0  }
0x18: {  	s0 =	sld [smem:$0x3F9D];
	_ =	swait.ge [sflag:s4], $0x0  }
0x19: {  	s7 =	sld [smem:$0x3F9E]  }
0x1a: {  	s8 =	sadd.s32 $0xFFFFE003, lr  }
0x1b: {  	s9 =	sadd.s32 $0xFFFFFEF7, lr;
	s5 =	simm.s32 $0xFFFFFFFF;
	p2 =	slt.u32 s8, $0xFFFFF086  }
0x1c: {  	p1 =	slt.u32 s9, $0xF7A;
	s5 =	simm.s32 @!p2 $0x0  }
0x1d: {  	s5 =	simm.s32 @p1 $0x1;
	p0 =	seq.s32 s7, s2  }
0x1e: {  	s7 =	smul.u32 @!p0 $0xF7A, s2;
	p2 =	seq.s32 @!p0 s5, $0x0  }
0x1f: {  	s9 =	smul.u32 $0xF7A, s1;
	s8 =	simm.s32 @!p0 $0x1BF5;
	p2 =	por !p2, p0  }
0x20: {  	[sflag:s8] =	ssyncset.s32 @!p0 $0xFFFFF086;
	s6 =	sadd.s32 @!p0 s3, s7;
	s7 =	simm.s32 @!p0 $0x108  }
0x21: {  	s3 =	sadd.s32 s3, s9;
	s6 =	sadd.s32 @!p0 $0x88, s6;
	s7 =	simm.s32 @p2 $0x1082  }
0x22: {  	[simem:s7], [sflag:s8] =	dma.local @!p0 [hbm:s6], $0xF7A  }
0x23: {  	s9 =	sor.u32 $0xD0000000, s2;
	s6 =	simm.s32 $0x108;
	_ =	swait.ge @!p0 [sflag:s8], $0x0  }
0x24: {  	s3 =	sadd.s32 $0x88, s3;
	s6 =	simm.s32 @!p1 $0x1082;
	[sflag:s4] =	ssyncset.s32 $0xFFFFF086  }
0x25: {  	[simem:s6], [sflag:s4] =	dma.local [hbm:s3], $0xF7A  }
0x26: {  	[smem:$0x3F9E] =	sst s1;
	(tag) =	ssettag s2;
	_ =	strace s9  }
0x27: {  	s1 =	sld [smem:$0x3FAE]  }
0x28: {  	s2 =	sld [smem:$0x3FAF]  }
0x29: {  	s4 =	sld [smem:$0x3FB1]  }
0x2a: {  	p0 =	seq.s32 s5, $0x0;
	s5 =	sld [smem:$0x3FB2]  }
0x2b: {  	s6 =	sld [smem:$0x3FB3]  }
0x2c: {  	s7 =	sld [smem:$0x3FB4]  }
0x2d: {  	s3 =	simm.s32 $0x108;
	s8 =	sld [smem:$0x3FB5]  }
0x2e: {  	s3 =	simm.s32 @!p0 $0x1082;
	s9 =	sld [smem:$0x3FB6]  }
0x2f: {  	lr =	sadd.s32 s0, s3;
	s0 =	sld [smem:$0x3FAD]  }
0x30: {  	s3 =	sld [smem:$0x3FB0]  }
0x31: {  	[smem:$0x3FB9] =	sst s10  }
0x32: {  	s10 =	sld [smem:$0x3FB7];
	_ =	sdelay $0x3  }
0x33: {  	p0 =	seq.s32 s10, $0x1;
	s10 =	sld [smem:$0x3FB9];
	_ =	sdelay $0x3  }
0x34: {  	[smem:$0x3FB9] =	sst s10  }
0x35: {  	s10 =	sld [smem:$0x3FB8];
	_ =	sdelay $0x3  }
0x36: {  	p1 =	seq.s32 s10, $0x1;
	s10 =	sld [smem:$0x3FB9];
	_ =	sdelay $0x3  }
0x37: {  	[smem:$0x3FB9] =	sst s10  }
0x38: {  	s10 =	sld [smem:$0x3FBA]  }
0x39: {  	_ = 	snop;
	(pc) =	sbr.ind lr, $3  }
0x3a: {  	_ = 	snop  }
0x3b: {  	_ = 	snop  }
0x3c: {  	p2 =	seq.s32 s10, $0x1;
	s10 =	sld [smem:$0x3FB9]  }
0x3d: {  	_ =	shalt  }
0x3e: {  	_ =	shalt  }
0x3f: {  	_ =	shalt  }
0x40: {  	_ =	shalt  }
0x41: {  	_ =	shalt  }
0x42: {  	_ =	shalt  }
0x43: {  	_ =	shalt  }
0x44: {  	_ =	shalt  }
0x45: {  	_ =	shalt  }
0x46: {  	_ =	shalt  }
0x47: {  	_ =	shalt  }
0x48: {  	_ =	shalt  }
0x49: {  	_ =	shalt  }
0x4a: {  	_ =	shalt  }
0x4b: {  	_ =	shalt  }
0x4c: {  	_ =	shalt  }
0x4d: {  	_ =	shalt  }
0x4e: {  	_ =	shalt  }
0x4f: {  	_ =	shalt  }
0x50: {  	_ =	shalt  }
0x51: {  	_ =	shalt  }
0x52: {  	_ =	shalt  }
0x53: {  	_ =	shalt  }
0x54: {  	_ =	shalt  }
0x55: {  	_ =	shalt  }
0x56: {  	_ =	shalt  }
0x57: {  	_ =	shalt  }
0x58: {  	_ =	shalt  }
0x59: {  	_ =	shalt  }
0x5a: {  	_ =	shalt  }
0x5b: {  	_ =	shalt  }
0x5c: {  	_ =	shalt  }
0x5d: {  	_ =	shalt  }
0x5e: {  	_ =	shalt  }
0x5f: {  	_ =	shalt  }
0x60: {  	_ =	shalt  }
0x61: {  	_ =	shalt  }
0x62: {  	_ =	shalt  }
0x63: {  	_ =	shalt  }
0x64: {  	_ =	shalt  }
0x65: {  	_ =	shalt  }
0x66: {  	_ =	shalt  }
0x67: {  	_ =	shalt  }
0x68: {  	_ =	shalt  }
0x69: {  	_ =	shalt  }
0x6a: {  	_ =	shalt  }
0x6b: {  	_ =	shalt  }
0x6c: {  	_ =	shalt  }
0x6d: {  	_ =	shalt  }
0x6e: {  	_ =	shalt  }
0x6f: {  	_ =	shalt  }
0x70: {  	_ =	shalt  }
0x71: {  	_ =	shalt  }
0x72: {  	_ =	shalt  }
0x73: {  	_ =	shalt  }
0x74: {  	_ =	shalt  }
0x75: {  	_ =	shalt  }
0x76: {  	_ =	shalt  }
0x77: {  	_ =	shalt  }
0x78: {  	_ =	shalt  }
0x79: {  	_ =	shalt  }
0x7a: {  	_ =	shalt  }
0x7b: {  	_ =	shalt  }
0x7c: {  	_ =	shalt  }
0x7d: {  	_ =	shalt  }
0x7e: {  	_ =	shalt  }
0x7f: {  	_ =	shalt  }
0x80: {  	_ =	shalt  }
0x81: {  	_ =	shalt  }
0x82: {  	_ =	shalt  }
0x83: {  	_ =	shalt  }
0x84: {  	_ =	shalt  }
0x85: {  	_ =	shalt  }
0x86: {  	_ =	shalt  }
0x87: {  	_ =	shalt  }
.Lfunc_end0:
.L_simem_size_0:
called_computation_lowered:
.L_overlay_start_0:
0x88: {  	s2 =	sld [smem:$0x3FD9]  }
0x89: {  	s3 =	sld [smem:$0x3FFE];
	_ =	sdelay $0x1  }
0x8a: {  	s1 =	srdreg.scid  }
0x8b: {  	s0 =	sand.u32 $0x1, s1  }
0x8c: {  	s17 =	sshll.u32 s0, $0xA;
	s2 =	sadd.s32 s3, s2  }
0x8d: {  	s2 =	sadd.s32 s2, s17  }
0x8e: {  	[smem:$0x3FC5] =	sst s2  }
0x8f: {  	_ = 	snop  }
0x90: {  	s2 =	sld [smem:$0x3FC9]  }
0x91: {  	s18 =	sld [smem:$0x3FD0];
	(tm) =	ssettm $0x1  }
0x92: {  	s4 =	sld [smem:$0x3FFB];
	_ =	sdelay $0x3  }
0x93: {  	_ =	strace s4  }
0x94: {  	s4 =	sld [smem:$0x3FFC];
	_ =	sdelay $0x3  }
0x95: {  	_ =	strace s4  }
0x96: {  	s4 =	sld [smem:$0x3FFD];
	_ =	sdelay $0x3  }
0x97: {  	_ =	strace s4  }
0x98: {  	_ =	strace $0x8FFFFFFF  }
0x99: {  	s19 =	sld [smem:$0x3FDB];
	_ =	sdelay $0x1  }
0x9a: {  	s5 =	simm.s32 $_scs_section_size  }
0x9b: {  	s6 =	simm.s32 $_size__tile_overlayer_lowered;
	s7 =	simm.s32 $_tile_overlayer_lowered  }
0x9c: {  	s22 =	simm.s32 $0x1BFF;
	s21 =	sshll.u32 s7, $0x1;
	s4 =	sadd.s32 s5, s19  }
0x9d: {  	s8 =	simm.s32 $0x0;
	s20 =	sshll.u32 s6, $0x1;
	s6 =	sadd.s32 s21, s4  }
0x9e: {  	[timem:s8], [sflag:s22] =	dma.local [hbm:s6], s20  }
0x9f: {  	_ =	swait.ge [sflag:s22], s20  }
0xa0: {  	s5 =	ssub.s32 $0x0, s20;
	[sflag:s22] =	ssyncset.done $0x0  }
0xa1: {  	[sflag:s22] =	ssyncadd.s32 s5;
	_ =	sdelay $0x1  }
0xa2: {  	s23 =	simm.s32 $0x1B8B  }
0xa3: {  	_ =	swait.ge [sflag:s23], $0x1  }
0xa4: {  	[sflag:s23] =	ssyncset.done $0x0  }
0xa5: {  	s25 =	simm.s32 $0x1B8E;
	s24 =	sld [smem:$0x3FFE];
	[sflag:s23] =	ssyncadd.s32 $0xFFFFFFFF  }
0xa6: {  	s26 =	simm.s32 $execute0_lowered;
	[smem:$0x3FD2] =	sst s25  }
0xa7: {  	s6 =	sshll.u32 s26, $0x1;
	_ =	strace $0x80000046;
	[dreg:$0x1] =	wrdreg $0xFFFFFFFF  }
0xa8: {  	s28 =	simm.s32 $_size_execute0_lowered;
	s4 =	sadd.s32 s4, s6;
	[dreg:$0x0] =	wrdreg $0x0  }
0xa9: {  	s6 =	sshll.u32 s28, $0x1;
	[dreg:$0x2] =	wrdreg s4  }
0xaa: {  	[dreg:$0x3] =	wrdreg s6  }
0xab: {  	[dreg:$0x4] =	wrdreg $0xC0  }
0xac: {  	_ =	task [dreg:s8], $0x5FFFF  }
0xad: {  	[dreg:$0x1] =	wrdreg $0xFFFFFFFF  }
0xae: {  	[dreg:$0x0] =	wrdreg $0x60  }
0xaf: {  	[dreg:$0x2] =	wrdreg s2  }
0xb0: {  	[dreg:$0x3] =	wrdreg s24  }
0xb1: {  	[dreg:$0x4] =	wrdreg s18  }
0xb2: {  	[dreg:$0x5] =	wrdreg $0x9  }
0xb3: {  	_ =	task.clear_ibuf [dreg:s8], $0x6FFFF;
	_ =	strace $0x90000046  }
0xb4: {  	s29 =	simm.s32 $0x9;
	_ =	strace $0x80000048  }
0xb5: {  	_ =	swait.ge [sflag:s29], $0x1  }
0xb6: {  	[sflag:s29] =	ssyncadd.s32 $0xFFFFFFFF  }
0xb7: {  	_ =	strace $0x90000048  }
0xb8: {  	_ =	sfence  }
0xb9: {  	s30 =	sld [smem:$0x0];
	_ =	sdelay $0x2  }
0xba: {  	s31 =	sshll.u32 s1, $0xD;
	s1 =	sshrl.u32 s1, $0x2  }
0xbb: {  	s3 =	sand.u32 $0x4000, s31;
	s1 =	sadd.s32 s1, s30  }
0xbc: {  	s0 =	sor.u32 s3, s0;
	s1 =	sshll.u32 s1, $0x11  }
0xbd: {  	s0 =	sor.u32 s1, s0  }
0xbe: {  	s0 =	sadd.s32 $0x8F2B, s0  }
0xbf: {  	[sflag:s0] =	ssyncadd.remote.s32 $0x1  }
0xc0: {  	_ =	sfence.sel $0xFFFF  }
0xc1: {  	[dreg:$0x0] =	wrdreg $0xFFFFFFFF;
	(pc) =	sbr.abs _section_cstart, $3  }
0xc2: {  	[dreg:$0x1] =	wrdreg $0xFFFFFFFF  }
0xc3: {  	_ =	task.clear_ibuf [dreg:s8], $0x2FFFF;
	_ =	strace $0x9FFFFFFF  }
0xc4: {  	(tm) =	ssettm $0x7FFFFFFF  }
0xc5: {  	_ =	shalt  }
tec
execute0_lowered:
.L_overlay_start_1:
0x0: {  	(tag) =	ssettag $0x1  }
0x1: {  	s1 =	rddreg [dreg:$0x0]  }
0x2: {  	s0 =	rddreg [dreg:$0x1]  }
0x3: {  	s3 =	rddreg [dreg:$0x2]  }
0x4: {  	s2 =	srdreg.scid;
	s5 =	stileid.u32;
	s4 =	simm.s32 $0x0  }
0x5: {  	s11 =	simm.s32 $0xC200;
	s12 =	simm.s32 $0x7;
	s13 =	simm.s32 $0x1  }
0x6: {  	s14 =	simm.s32 $0x80;
	s16 =	simm.s32 $0x200;
	s17 =	simm.s32 $0x2  }
0x7: {  	s18 =	simm.s32 $0x180;
	s19 =	simm.s32 $0x4200;
	s20 =	simm.s32 $0x3  }
0x8: {  	s21 =	simm.s32 $0x8200;
	s22 =	simm.s32 $0x400;
	s23 =	simm.s32 $0x8000  }
0x9: {  	s24 =	simm.s32 $0x4;
	s25 =	simm.s32 $0xA200;
	s26 =	simm.s32 $0x5  }
0xa: {  	v0 =	vlaneseq.u32;
	s28 =	simm.s32 $0x6;
	s29 =	simm.s32 $0x0;
	s2 =	sand.u32 $0x1, s2  }
0xb: {  	s5 =	sshll.u32 s5, $0xB;
	[smem:$0x7FF] =	sst s4;
	v1 =	vmul.u32 $0x80, v0;
	v9 =	vor.u32 $0x10, v0;
	v10 =	vor.u32 $0x20, v0;
	s6 =	sshll.u32 s2, $0xA  }
0xc: {  	v11 =	vor.u32 $0x30, v0;
	v12 =	vor.u32 $0x40, v0;
	v13 =	vor.u32 $0x50, v0;
	s2 =	ssub.s32 $0x2, s2;
	_ =	strace $0x80000047;
	s5 =	sor.u32 s6, s5  }
0xd: {  	v14 =	vor.u32 $0x60, v0;
	v15 =	vor.u32 $0x70, v0;
	s7 =	sshrl.u32 s2, $0x1;
	s6 =	sadd.s32 $0xF42A00, s0;
	v2 =	vor.u32 $0x800, v1;
	s8 =	sshrl.u32 s5, $0x3  }
0xe: {  	s0 =	sadd.s32 $0x600, s0;
	v3 =	vor.u32 $0x1000, v1;
	v4 =	vor.u32 $0x1800, v1;
	v5 =	vor.u32 $0x2000, v1;
	s2 =	ssub.s32 s2, s7;
	s7 =	sadd.s32 s1, s8  }
0xf: {  	v6 =	vor.u32 $0x2800, v1;
	v7 =	vor.u32 $0x3000, v1;
	v8 =	vor.u32 $0x3800, v1;
	[dreg:$0x4] =	wrdreg s0;
	s10 =	smax.u32 s2, $0x1;
	s9 =	sadd.s32 $0x10, s7  }
.LBB2_1:
0x10: {  	s0 =	rddreg [dreg:$0x4]  }
0x11: {  	[tilespmem:s11], [sflag:$0x7] =	stream.linear.gather [hbm4b:s0+s4], $0x6400, $0x38;
	[tilespmem:$0x12600] =	vst v63  }
0x12: {  	_ =	swait.ge [sflag:s12], $0x6400  }
0x13: {  	[sflag:s12] =	ssyncset.done $0x0  }
0x14: {  	[sflag:s12] =	ssyncadd.s32 $0xFFFF9C00  }
0x15: {  	[tilespmem:s4], [sflag:$0x1] =	stream.linear.gather [hbm4b:s7+s4], $0x80, $0x38;
	[tilespmem:$0x12600] =	vst v63  }
0x16: {  	_ =	swait.ge [sflag:s13], $0x80  }
0x17: {  	[sflag:s13] =	ssyncset.done $0x0  }
0x18: {  	[sflag:s13] =	ssyncadd.s32 $0xFFFFFF80  }
0x19: {  	v16 =	vld [tilespmem:$0x0]  }
0x1a: {  	v17 =	vld [tilespmem:$0x10]  }
0x1b: {  	v18 =	vld [tilespmem:$0x20]  }
0x1c: {  	v19 =	vld [tilespmem:$0x30]  }
0x1d: {  	v20 =	vld [tilespmem:$0x40]  }
0x1e: {  	v21 =	vld [tilespmem:$0x50];
	v16 =	vshrl.u32 v16, $0x1  }
0x1f: {  	[tilespmem:$0x100] =	vst v16;
	v16 =	vshrl.u32 v17, $0x1;
	v17 =	vld [tilespmem:$0x60]  }
0x20: {  	v63 =	vld [tilespmem:$0x70];
	[tilespmem:$0x110] =	vst v16;
	v16 =	vshrl.u32 v18, $0x1  }
0x21: {  	[tilespmem:$0x120] =	vst v16;
	v16 =	vshrl.u32 v19, $0x1  }
0x22: {  	[tilespmem:$0x130] =	vst v16;
	v16 =	vshrl.u32 v20, $0x1  }
0x23: {  	[tilespmem:$0x140] =	vst v16;
	v16 =	vshrl.u32 v21, $0x1  }
0x24: {  	[tilespmem:$0x150] =	vst v16;
	v16 =	vshrl.u32 v17, $0x1  }
0x25: {  	[tilespmem:$0x160] =	vst v16;
	v16 =	vshrl.u32 v63, $0x1  }
0x26: {  	s31 =	simm.s32 $0x100;
	[tilespmem:$0x170] =	vst v16  }
0x27: {  	[tilespmem:s16], [sflag:$0x3] =	stream.indirect.gather [hbm4b:s6+s14], $0x80, s31, s14, $0xb8;
	[tilespmem:$0x12600] =	vst v63  }
0x28: {  	s30 =	simm.s32 $0x0  }
0x29: {  	[tilespmem:s14], [sflag:$0x2] =	stream.linear.gather [hbm4b:s9+s4], $0x80, $0x38;
	[tilespmem:$0x12600] =	vst v63  }
.LBB2_2:
0x2a: {  	_ =	swait.ge [sflag:s17], $0x80  }
0x2b: {  	[sflag:s17] =	ssyncset.done $0x0  }
0x2c: {  	[sflag:s17] =	ssyncadd.s32 $0xFFFFFF80  }
0x2d: {  	v16 =	vld [tilespmem:$0x80]  }
0x2e: {  	v17 =	vld [tilespmem:$0x90]  }
0x2f: {  	v18 =	vld [tilespmem:$0xA0]  }
0x30: {  	v19 =	vld [tilespmem:$0xB0]  }
0x31: {  	v20 =	vld [tilespmem:$0xC0]  }
0x32: {  	v21 =	vld [tilespmem:$0xD0];
	v16 =	vshrl.u32 v16, $0x1  }
0x33: {  	[tilespmem:$0x180] =	vst v16;
	v16 =	vshrl.u32 v17, $0x1;
	v17 =	vld [tilespmem:$0xE0]  }
0x34: {  	[tilespmem:$0x190] =	vst v16;
	v16 =	vshrl.u32 v18, $0x1;
	v18 =	vld [tilespmem:$0xF0]  }
0x35: {  	[tilespmem:$0x1A0] =	vst v16;
	v16 =	vshrl.u32 v19, $0x1  }
0x36: {  	[tilespmem:$0x1B0] =	vst v16;
	v16 =	vshrl.u32 v20, $0x1  }
0x37: {  	[tilespmem:$0x1C0] =	vst v16;
	v16 =	vshrl.u32 v21, $0x1  }
0x38: {  	[tilespmem:$0x1D0] =	vst v16;
	v16 =	vshrl.u32 v17, $0x1  }
0x39: {  	[tilespmem:$0x1E0] =	vst v16;
	v16 =	vshrl.u32 v18, $0x1  }
0x3a: {  	[tilespmem:$0x1F0] =	vst v16  }
0x3b: {  	[tilespmem:s19], [sflag:$0x4] =	stream.indirect.gather [hbm4b:s6+s14], $0x80, s18, s14, $0xb8;
	[tilespmem:$0x12600] =	vst v63  }
0x3c: {  	_ =	swait.ge [sflag:s20], $0x4000  }
0x3d: {  	[sflag:s20] =	ssyncset.done $0x0  }
0x3e: {  	s0 =	sshll.u32 s30, $0x1;
	p0 =	seq.s32 s30, $0x63;
	[sflag:s20] =	ssyncadd.s32 $0xFFFFC000  }
0x3f: {  	s2 =	sadd.s32 @!p0 $0x2, s0;
	v16 =	vld [tilespmem:$0x0]  }
0x40: {  	p1 =	seq.s32 @!p0 s30, $0x0;
	s15 =	sshll.u32 @!p0 s2, $0x7;
	s2 =	sshll.u32 @!p0 s2, $0xC;
	v18 =	vld [tilespmem:$0x10]  }
0x41: {  	p1 =	por p0, !p1;
	s15 =	sand.u32 @!p0 $0x300, s15;
	s2 =	sand.u32 @!p0 $0x1F8000, s2;
	v19 =	vld [tilespmem:$0x20]  }
.Ltmp0:
0x42: {  	s2 =	sor.u32 @!p0 s2, s15;
	v20 =	vld [tilespmem:$0x30];
	(pc) =	sbr.rel @!p1 .LBB2_3-.Ltmp0, $4  }
0x43: {  	s2 =	sor.u32 @!p0 s5, s2;
	v21 =	vld [tilespmem:$0x40]  }
0x44: {  	s2 =	sshrl.u32 @!p0 s2, $0x3;
	v22 =	vld [tilespmem:$0x50]  }
0x45: {  	s15 =	simm.s32 @!p0 $0x0;
	s2 =	sadd.s32 @!p0 s1, s2;
	v23 =	vld [tilespmem:$0x60]  }
0x46: {  	v24 =	vld [tilespmem:$0x70];
	[tilespmem:s15], [sflag:$0x1] =	stream.linear.gather @!p0 [hbm4b:s2+s15], $0x80, $0x38  }
.Ltmp1:
0x47: {  	(pc) =	sbr.rel .LBB2_5-.Ltmp1, $4  }
0x48: {  	_ = 	snop  }
0x49: {  	_ =	swait.ge [sflag:s26], $0x2000  }
0x4a: {  	[sflag:s26] =	ssyncset.done $0x0  }
0x4b: {  	p1 =	por $0x0, $0x0;
	[sflag:s26] =	ssyncadd.s32 $0xFFFFE000  }
.LBB2_3:
0x4c: {  	p1 =	por @!p0 $0x1, $0x1  }
.LBB2_5:
0x4d: {  	s2 =	simm.s32 $0x0  }
0x4e: {  	v16 =	vshll.u32 v16, $0x6;
	s15 =	sshll.u32 s0, $0x7;
	v25 =	vadd.s32 s2, v0  }
0x4f: {  	v17 =	vand.u32 $0x40, v16;
	v16 =	vmov s15;
	v26 =	vand.u32 $0xF, v25  }
0x50: {  	v17 =	vor.u32 v1, v17;
	v27 =	vor.u32 v16, v26  }
0x51: {  	v28 =	vor.u32 v26, v17;
	_ =	sdelay $0x3  }
0x52: {  	v27 =	vld.idx.msk [tilespmem:v27+s11+$0x0], $0xffff  }
0x53: {  	v18 =	vshll.u32 v18, $0x6;
	v28 =	vld.idx.msk [tilespmem:v28+s16+$0x0], $0xffff  }
0x54: {  	v18 =	vand.u32 $0x40, v18;
	v29 =	vshll.u32 v26, $0x7  }
0x55: {  	v18 =	vor.u32 v2, v18;
	v30 =	vor.u32 v0, v29  }
0x56: {  	v31 =	vor.u32 v26, v18;
	_ =	sdelay $0x1  }
0x57: {  	v28 =	vadd.f32 v28, v27;
	_ =	sdelay $0x1  }
0x58: {  	[tilespmem:v30+s21+$0x0] =	vst.idx.msk $0xffff, v28  }
0x59: {  	v19 =	vshll.u32 v19, $0x6;
	v28 =	vld.idx.msk [tilespmem:v31+s16+$0x0], $0xffff  }
0x5a: {  	v19 =	vand.u32 $0x40, v19  }
0x5b: {  	v19 =	vor.u32 v3, v19;
	v30 =	vor.u32 v9, v29  }
0x5c: {  	v31 =	vor.u32 v26, v19;
	_ =	sdelay $0x1  }
0x5d: {  	v28 =	vadd.f32 v28, v27;
	_ =	sdelay $0x1  }
0x5e: {  	[tilespmem:v30+s21+$0x0] =	vst.idx.msk $0xffff, v28  }
0x5f: {  	v20 =	vshll.u32 v20, $0x6;
	v28 =	vld.idx.msk [tilespmem:v31+s16+$0x0], $0xffff  }
0x60: {  	v20 =	vand.u32 $0x40, v20  }
0x61: {  	v20 =	vor.u32 v4, v20;
	v30 =	vor.u32 v10, v29  }
0x62: {  	v31 =	vor.u32 v26, v20;
	_ =	sdelay $0x1  }
0x63: {  	v28 =	vadd.f32 v28, v27;
	_ =	sdelay $0x1  }
0x64: {  	[tilespmem:v30+s21+$0x0] =	vst.idx.msk $0xffff, v28  }
0x65: {  	v21 =	vshll.u32 v21, $0x6;
	v28 =	vld.idx.msk [tilespmem:v31+s16+$0x0], $0xffff  }
0x66: {  	v21 =	vand.u32 $0x40, v21  }
0x67: {  	v21 =	vor.u32 v5, v21;
	v30 =	vor.u32 v11, v29  }
0x68: {  	v31 =	vor.u32 v26, v21;
	_ =	sdelay $0x1  }
0x69: {  	v28 =	vadd.f32 v28, v27;
	_ =	sdelay $0x1  }
0x6a: {  	[tilespmem:v30+s21+$0x0] =	vst.idx.msk $0xffff, v28  }
0x6b: {  	v22 =	vshll.u32 v22, $0x6;
	v28 =	vld.idx.msk [tilespmem:v31+s16+$0x0], $0xffff  }
0x6c: {  	v22 =	vand.u32 $0x40, v22  }
0x6d: {  	v22 =	vor.u32 v6, v22;
	v30 =	vor.u32 v12, v29  }
0x6e: {  	v31 =	vor.u32 v26, v22;
	_ =	sdelay $0x1  }
0x6f: {  	v28 =	vadd.f32 v28, v27;
	_ =	sdelay $0x1  }
0x70: {  	[tilespmem:v30+s21+$0x0] =	vst.idx.msk $0xffff, v28  }
0x71: {  	v23 =	vshll.u32 v23, $0x6;
	v28 =	vld.idx.msk [tilespmem:v31+s16+$0x0], $0xffff  }
0x72: {  	v23 =	vand.u32 $0x40, v23  }
0x73: {  	v23 =	vor.u32 v7, v23;
	v30 =	vor.u32 v13, v29  }
0x74: {  	v31 =	vor.u32 v26, v23;
	_ =	sdelay $0x1  }
0x75: {  	v28 =	vadd.f32 v28, v27;
	_ =	sdelay $0x1  }
0x76: {  	[tilespmem:v30+s21+$0x0] =	vst.idx.msk $0xffff, v28  }
0x77: {  	v24 =	vshll.u32 v24, $0x6;
	v28 =	vld.idx.msk [tilespmem:v31+s16+$0x0], $0xffff  }
0x78: {  	v24 =	vand.u32 $0x40, v24  }
0x79: {  	v24 =	vor.u32 v8, v24;
	v30 =	vor.u32 v14, v29  }
0x7a: {  	v31 =	vor.u32 v26, v24;
	_ =	sdelay $0x1  }
0x7b: {  	v28 =	vadd.f32 v28, v27;
	_ =	sdelay $0x1  }
0x7c: {  	[tilespmem:v30+s21+$0x0] =	vst.idx.msk $0xffff, v28  }
0x7d: {  	v28 =	vld.idx.msk [tilespmem:v31+s16+$0x0], $0xffff;
	_ =	sdelay $0x1  }
0x7e: {  	v29 =	vor.u32 v15, v29;
	v30 =	vor.u32 $0x10, v25  }
0x7f: {  	v31 =	vor.u32 v16, v30  }
0x80: {  	v32 =	vor.u32 v30, v17  }
0x81: {  	v27 =	vadd.f32 v28, v27;
	_ =	sdelay $0x1  }
0x82: {  	[tilespmem:v29+s21+$0x0] =	vst.idx.msk $0xffff, v27  }
0x83: {  	v27 =	vld.idx.msk [tilespmem:v31+s11+$0x0], $0xffff  }
0x84: {  	v28 =	vld.idx.msk [tilespmem:v32+s16+$0x0], $0xffff  }
0x85: {  	v29 =	vshll.u32 v30, $0x7  }
0x86: {  	v31 =	vor.u32 v0, v29  }
0x87: {  	v58 =	vor.u32 v30, v18;
	_ =	sdelay $0x1  }
0x88: {  	v28 =	vadd.f32 v28, v27;
	_ =	sdelay $0x1  }
0x89: {  	[tilespmem:v31+s21+$0x0] =	vst.idx.msk $0xffff, v28  }
0x8a: {  	v28 =	vld.idx.msk [tilespmem:v58+s16+$0x0], $0xffff;
	_ =	sdelay $0x1  }
0x8b: {  	v31 =	vor.u32 v9, v29  }
0x8c: {  	v59 =	vor.u32 v30, v19;
	_ =	sdelay $0x1  }
0x8d: {  	v28 =	vadd.f32 v28, v27;
	_ =	sdelay $0x1  }
0x8e: {  	[tilespmem:v31+s21+$0x0] =	vst.idx.msk $0xffff, v28  }
0x8f: {  	v28 =	vld.idx.msk [tilespmem:v59+s16+$0x0], $0xffff;
	_ =	sdelay $0x1  }
0x90: {  	v31 =	vor.u32 v10, v29  }
0x91: {  	v60 =	vor.u32 v30, v20;
	_ =	sdelay $0x1  }
0x92: {  	v28 =	vadd.f32 v28, v27;
	_ =	sdelay $0x1  }
0x93: {  	[tilespmem:v31+s21+$0x0] =	vst.idx.msk $0xffff, v28  }
0x94: {  	v28 =	vld.idx.msk [tilespmem:v60+s16+$0x0], $0xffff;
	_ =	sdelay $0x1  }
0x95: {  	v31 =	vor.u32 v11, v29  }
0x96: {  	v61 =	vor.u32 v30, v21;
	_ =	sdelay $0x1  }
0x97: {  	v28 =	vadd.f32 v28, v27;
	_ =	sdelay $0x1  }
0x98: {  	[tilespmem:v31+s21+$0x0] =	vst.idx.msk $0xffff, v28  }
0x99: {  	v28 =	vld.idx.msk [tilespmem:v61+s16+$0x0], $0xffff;
	_ =	sdelay $0x1  }
0x9a: {  	v31 =	vor.u32 v12, v29  }
0x9b: {  	v62 =	vor.u32 v30, v22;
	_ =	sdelay $0x1  }
0x9c: {  	v28 =	vadd.f32 v28, v27;
	_ =	sdelay $0x1  }
0x9d: {  	[tilespmem:v31+s21+$0x0] =	vst.idx.msk $0xffff, v28  }
0x9e: {  	v28 =	vld.idx.msk [tilespmem:v62+s16+$0x0], $0xffff;
	_ =	sdelay $0x1  }
0x9f: {  	v31 =	vor.u32 v13, v29  }
0xa0: {  	v63 =	vor.u32 v30, v23;
	_ =	sdelay $0x1  }
0xa1: {  	v28 =	vadd.f32 v28, v27;
	_ =	sdelay $0x1  }
0xa2: {  	[tilespmem:v31+s21+$0x0] =	vst.idx.msk $0xffff, v28  }
0xa3: {  	v28 =	vld.idx.msk [tilespmem:v63+s16+$0x0], $0xffff;
	_ =	sdelay $0x1  }
0xa4: {  	v31 =	vor.u32 v14, v29  }
0xa5: {  	v30 =	vor.u32 v30, v24;
	_ =	sdelay $0x1  }
0xa6: {  	v28 =	vadd.f32 v28, v27;
	_ =	sdelay $0x1  }
0xa7: {  	[tilespmem:v31+s21+$0x0] =	vst.idx.msk $0xffff, v28  }
0xa8: {  	v28 =	vld.idx.msk [tilespmem:v30+s16+$0x0], $0xffff;
	_ =	sdelay $0x1  }
0xa9: {  	v26 =	vor.u32 $0x20, v26;
	v29 =	vor.u32 v15, v29  }
0xaa: {  	v30 =	vor.u32 v16, v26  }
0xab: {  	v31 =	vor.u32 v26, v17  }
0xac: {  	v27 =	vadd.f32 v28, v27;
	_ =	sdelay $0x1  }
0xad: {  	[tilespmem:v29+s21+$0x0] =	vst.idx.msk $0xffff, v27  }
0xae: {  	v27 =	vld.idx.msk [tilespmem:v30+s11+$0x0], $0xffff  }
0xaf: {  	v28 =	vld.idx.msk [tilespmem:v31+s16+$0x0], $0xffff  }
0xb0: {  	v29 =	vshll.u32 v26, $0x7  }
0xb1: {  	v30 =	vor.u32 v0, v29  }
0xb2: {  	v31 =	vor.u32 v26, v18;
	_ =	sdelay $0x1  }
0xb3: {  	v28 =	vadd.f32 v28, v27;
	_ =	sdelay $0x1  }
0xb4: {  	[tilespmem:v30+s21+$0x0] =	vst.idx.msk $0xffff, v28  }
0xb5: {  	v28 =	vld.idx.msk [tilespmem:v31+s16+$0x0], $0xffff;
	_ =	sdelay $0x1  }
0xb6: {  	v30 =	vor.u32 v9, v29  }
0xb7: {  	v31 =	vor.u32 v26, v19;
	_ =	sdelay $0x1  }
0xb8: {  	v28 =	vadd.f32 v28, v27;
	_ =	sdelay $0x1  }
0xb9: {  	[tilespmem:v30+s21+$0x0] =	vst.idx.msk $0xffff, v28  }
0xba: {  	v28 =	vld.idx.msk [tilespmem:v31+s16+$0x0], $0xffff;
	_ =	sdelay $0x1  }
0xbb: {  	v30 =	vor.u32 v10, v29  }
0xbc: {  	v31 =	vor.u32 v26, v20;
	_ =	sdelay $0x1  }
0xbd: {  	v28 =	vadd.f32 v28, v27;
	_ =	sdelay $0x1  }
0xbe: {  	[tilespmem:v30+s21+$0x0] =	vst.idx.msk $0xffff, v28  }
0xbf: {  	v28 =	vld.idx.msk [tilespmem:v31+s16+$0x0], $0xffff;
	_ =	sdelay $0x1  }
0xc0: {  	v30 =	vor.u32 v11, v29  }
0xc1: {  	v31 =	vor.u32 v26, v21;
	_ =	sdelay $0x1  }
0xc2: {  	v28 =	vadd.f32 v28, v27;
	_ =	sdelay $0x1  }
0xc3: {  	[tilespmem:v30+s21+$0x0] =	vst.idx.msk $0xffff, v28  }
0xc4: {  	v28 =	vld.idx.msk [tilespmem:v31+s16+$0x0], $0xffff;
	_ =	sdelay $0x1  }
0xc5: {  	v30 =	vor.u32 v12, v29  }
0xc6: {  	v31 =	vor.u32 v26, v22;
	_ =	sdelay $0x1  }
0xc7: {  	v28 =	vadd.f32 v28, v27;
	_ =	sdelay $0x1  }
0xc8: {  	[tilespmem:v30+s21+$0x0] =	vst.idx.msk $0xffff, v28  }
0xc9: {  	v28 =	vld.idx.msk [tilespmem:v31+s16+$0x0], $0xffff;
	_ =	sdelay $0x1  }
0xca: {  	v30 =	vor.u32 v13, v29  }
0xcb: {  	v31 =	vor.u32 v26, v23;
	_ =	sdelay $0x1  }
0xcc: {  	v28 =	vadd.f32 v28, v27;
	_ =	sdelay $0x1  }
0xcd: {  	[tilespmem:v30+s21+$0x0] =	vst.idx.msk $0xffff, v28  }
0xce: {  	v28 =	vld.idx.msk [tilespmem:v31+s16+$0x0], $0xffff;
	_ =	sdelay $0x1  }
0xcf: {  	v30 =	vor.u32 v14, v29  }
0xd0: {  	v26 =	vor.u32 v26, v24;
	_ =	sdelay $0x1  }
0xd1: {  	v28 =	vadd.f32 v28, v27;
	_ =	sdelay $0x1  }
0xd2: {  	[tilespmem:v30+s21+$0x0] =	vst.idx.msk $0xffff, v28  }
0xd3: {  	v26 =	vld.idx.msk [tilespmem:v26+s16+$0x0], $0xffff;
	_ =	sdelay $0x1  }
0xd4: {  	v25 =	vor.u32 $0x30, v25;
	v28 =	vor.u32 v15, v29  }
0xd5: {  	v29 =	vor.u32 v16, v25  }
0xd6: {  	v30 =	vor.u32 v25, v17  }
0xd7: {  	v26 =	vadd.f32 v26, v27;
	_ =	sdelay $0x1  }
0xd8: {  	[tilespmem:v28+s21+$0x0] =	vst.idx.msk $0xffff, v26  }
0xd9: {  	v28 =	vld.idx.msk [tilespmem:v29+s11+$0x0], $0xffff  }
0xda: {  	v26 =	vld.idx.msk [tilespmem:v30+s16+$0x0], $0xffff  }
0xdb: {  	v27 =	vshll.u32 v25, $0x7  }
0xdc: {  	v29 =	vor.u32 v0, v27  }
0xdd: {  	v30 =	vor.u32 v25, v18;
	_ =	sdelay $0x1  }
0xde: {  	v26 =	vadd.f32 v26, v28;
	_ =	sdelay $0x1  }
0xdf: {  	[tilespmem:v29+s21+$0x0] =	vst.idx.msk $0xffff, v26  }
0xe0: {  	v26 =	vld.idx.msk [tilespmem:v30+s16+$0x0], $0xffff;
	_ =	sdelay $0x1  }
0xe1: {  	v29 =	vor.u32 v9, v27  }
0xe2: {  	v30 =	vor.u32 v25, v19;
	_ =	sdelay $0x1  }
0xe3: {  	v26 =	vadd.f32 v26, v28;
	_ =	sdelay $0x1  }
0xe4: {  	[tilespmem:v29+s21+$0x0] =	vst.idx.msk $0xffff, v26  }
0xe5: {  	v26 =	vld.idx.msk [tilespmem:v30+s16+$0x0], $0xffff;
	_ =	sdelay $0x1  }
0xe6: {  	v29 =	vor.u32 v10, v27  }
0xe7: {  	v30 =	vor.u32 v25, v20;
	_ =	sdelay $0x1  }
0xe8: {  	v26 =	vadd.f32 v26, v28;
	_ =	sdelay $0x1  }
0xe9: {  	[tilespmem:v29+s21+$0x0] =	vst.idx.msk $0xffff, v26  }
0xea: {  	v26 =	vld.idx.msk [tilespmem:v30+s16+$0x0], $0xffff;
	_ =	sdelay $0x1  }
0xeb: {  	v29 =	vor.u32 v11, v27  }
0xec: {  	v30 =	vor.u32 v25, v21;
	_ =	sdelay $0x1  }
0xed: {  	v26 =	vadd.f32 v26, v28;
	_ =	sdelay $0x1  }
0xee: {  	[tilespmem:v29+s21+$0x0] =	vst.idx.msk $0xffff, v26  }
0xef: {  	v26 =	vld.idx.msk [tilespmem:v30+s16+$0x0], $0xffff;
	_ =	sdelay $0x1  }
0xf0: {  	v29 =	vor.u32 v12, v27  }
0xf1: {  	v30 =	vor.u32 v25, v22;
	_ =	sdelay $0x1  }
0xf2: {  	v26 =	vadd.f32 v26, v28;
	_ =	sdelay $0x1  }
0xf3: {  	[tilespmem:v29+s21+$0x0] =	vst.idx.msk $0xffff, v26  }
0xf4: {  	v26 =	vld.idx.msk [tilespmem:v30+s16+$0x0], $0xffff;
	_ =	sdelay $0x1  }
0xf5: {  	v29 =	vor.u32 v13, v27  }
0xf6: {  	v30 =	vor.u32 v25, v23;
	_ =	sdelay $0x1  }
0xf7: {  	v26 =	vadd.f32 v26, v28;
	_ =	sdelay $0x1  }
0xf8: {  	[tilespmem:v29+s21+$0x0] =	vst.idx.msk $0xffff, v26  }
0xf9: {  	v26 =	vld.idx.msk [tilespmem:v30+s16+$0x0], $0xffff;
	_ =	sdelay $0x1  }
0xfa: {  	v29 =	vor.u32 v14, v27  }
0xfb: {  	v25 =	vor.u32 v25, v24;
	_ =	sdelay $0x1  }
0xfc: {  	v26 =	vadd.f32 v26, v28;
	_ =	sdelay $0x1  }
0xfd: {  	[tilespmem:v29+s21+$0x0] =	vst.idx.msk $0xffff, v26  }
0xfe: {  	s15 =	simm.s32 $0x1;
	v30 =	vld.idx.msk [tilespmem:v25+s16+$0x0], $0xffff  }
0xff: {  	v31 =	vadd.s32 s15, v0;
	v29 =	vor.u32 v15, v27  }
0x100: {  	s31 =	sshllo.u32 s30, $0x1;
	s2 =	simm.s32 $0x2;
	v26 =	vand.u32 $0xF, v31;
	v27 =	vor.u32 $0x10, v31;
	v25 =	vor.u32 $0x30, v31  }
.LBB2_6:
0x101: {  	p2 =	sne.s32 s2, $0xF;
	v31 =	vor.u32 v16, v26;
	v32 =	vor.u32 v26, v17;
	s15 =	smov.u32 s2;
	s2 =	sadd.s32 $0x1, s2  }
0x102: {  	_ = 	snop  }
0x103: {  	v28 =	vadd.f32 v30, v28;
	_ =	sdelay $0x1  }
0x104: {  	[tilespmem:v29+s21+$0x0] =	vst.idx.msk $0xffff, v28  }
0x105: {  	v28 =	vld.idx.msk [tilespmem:v31+s11+$0x0], $0xffff  }
0x106: {  	v29 =	vld.idx.msk [tilespmem:v32+s16+$0x0], $0xffff  }
0x107: {  	v30 =	vshll.u32 v26, $0x7  }
0x108: {  	v31 =	vor.u32 v0, v30  }
0x109: {  	v32 =	vor.u32 v26, v18;
	_ =	sdelay $0x2  }
0x10a: {  	v29 =	vadd.f32 v29, v28;
	_ =	sdelay $0x1  }
0x10b: {  	[tilespmem:v31+s21+$0x0] =	vst.idx.msk $0xffff, v29  }
0x10c: {  	v29 =	vld.idx.msk [tilespmem:v32+s16+$0x0], $0xffff;
	_ =	sdelay $0x1  }
0x10d: {  	v31 =	vor.u32 v9, v30  }
0x10e: {  	v32 =	vor.u32 v26, v19;
	_ =	sdelay $0x2  }
0x10f: {  	v29 =	vadd.f32 v29, v28;
	_ =	sdelay $0x1  }
0x110: {  	[tilespmem:v31+s21+$0x0] =	vst.idx.msk $0xffff, v29  }
0x111: {  	v29 =	vld.idx.msk [tilespmem:v32+s16+$0x0], $0xffff;
	_ =	sdelay $0x1  }
0x112: {  	v31 =	vor.u32 v10, v30  }
0x113: {  	v32 =	vor.u32 v26, v20;
	_ =	sdelay $0x2  }
0x114: {  	v29 =	vadd.f32 v29, v28;
	_ =	sdelay $0x1  }
0x115: {  	[tilespmem:v31+s21+$0x0] =	vst.idx.msk $0xffff, v29  }
0x116: {  	v29 =	vld.idx.msk [tilespmem:v32+s16+$0x0], $0xffff;
	_ =	sdelay $0x1  }
0x117: {  	v31 =	vor.u32 v11, v30  }
0x118: {  	v32 =	vor.u32 v26, v21;
	_ =	sdelay $0x2  }
0x119: {  	v29 =	vadd.f32 v29, v28;
	_ =	sdelay $0x1  }
0x11a: {  	[tilespmem:v31+s21+$0x0] =	vst.idx.msk $0xffff, v29  }
0x11b: {  	v29 =	vld.idx.msk [tilespmem:v32+s16+$0x0], $0xffff;
	_ =	sdelay $0x1  }
0x11c: {  	v31 =	vor.u32 v12, v30  }
0x11d: {  	v32 =	vor.u32 v26, v22;
	_ =	sdelay $0x2  }
0x11e: {  	v29 =	vadd.f32 v29, v28;
	_ =	sdelay $0x1  }
0x11f: {  	[tilespmem:v31+s21+$0x0] =	vst.idx.msk $0xffff, v29  }
0x120: {  	v29 =	vld.idx.msk [tilespmem:v32+s16+$0x0], $0xffff;
	_ =	sdelay $0x1  }
0x121: {  	v31 =	vor.u32 v13, v30  }
0x122: {  	v32 =	vor.u32 v26, v23;
	_ =	sdelay $0x2  }
0x123: {  	v29 =	vadd.f32 v29, v28;
	_ =	sdelay $0x1  }
0x124: {  	[tilespmem:v31+s21+$0x0] =	vst.idx.msk $0xffff, v29  }
0x125: {  	v29 =	vld.idx.msk [tilespmem:v32+s16+$0x0], $0xffff;
	_ =	sdelay $0x1  }
0x126: {  	v31 =	vor.u32 v14, v30  }
0x127: {  	v32 =	vor.u32 v26, v24;
	_ =	sdelay $0x2  }
0x128: {  	v29 =	vadd.f32 v29, v28;
	_ =	sdelay $0x1  }
0x129: {  	[tilespmem:v31+s21+$0x0] =	vst.idx.msk $0xffff, v29  }
0x12a: {  	v29 =	vld.idx.msk [tilespmem:v32+s16+$0x0], $0xffff;
	_ =	sdelay $0x1  }
0x12b: {  	v30 =	vor.u32 v15, v30;
	_ =	sdelay $0x1  }
0x12c: {  	v31 =	vor.u32 v16, v27;
	v32 =	vor.u32 v27, v17;
	_ =	sdelay $0x1  }
0x12d: {  	v28 =	vadd.f32 v29, v28;
	_ =	sdelay $0x1  }
0x12e: {  	[tilespmem:v30+s21+$0x0] =	vst.idx.msk $0xffff, v28  }
0x12f: {  	v28 =	vld.idx.msk [tilespmem:v31+s11+$0x0], $0xffff  }
0x130: {  	v30 =	vshll.u32 v27, $0x7;
	v29 =	vld.idx.msk [tilespmem:v32+s16+$0x0], $0xffff  }
0x131: {  	v31 =	vor.u32 v0, v30  }
0x132: {  	v32 =	vor.u32 v27, v18;
	_ =	sdelay $0x3  }
0x133: {  	v29 =	vadd.f32 v29, v28;
	_ =	sdelay $0x1  }
0x134: {  	[tilespmem:v31+s21+$0x0] =	vst.idx.msk $0xffff, v29  }
0x135: {  	v29 =	vld.idx.msk [tilespmem:v32+s16+$0x0], $0xffff  }
0x136: {  	v31 =	vor.u32 v9, v30  }
0x137: {  	v32 =	vor.u32 v27, v19;
	_ =	sdelay $0x3  }
0x138: {  	v29 =	vadd.f32 v29, v28;
	_ =	sdelay $0x1  }
0x139: {  	[tilespmem:v31+s21+$0x0] =	vst.idx.msk $0xffff, v29  }
0x13a: {  	v29 =	vld.idx.msk [tilespmem:v32+s16+$0x0], $0xffff  }
0x13b: {  	v31 =	vor.u32 v10, v30  }
0x13c: {  	v32 =	vor.u32 v27, v20;
	_ =	sdelay $0x3  }
0x13d: {  	v29 =	vadd.f32 v29, v28;
	_ =	sdelay $0x1  }
0x13e: {  	[tilespmem:v31+s21+$0x0] =	vst.idx.msk $0xffff, v29  }
0x13f: {  	v29 =	vld.idx.msk [tilespmem:v32+s16+$0x0], $0xffff  }
0x140: {  	v31 =	vor.u32 v11, v30  }
0x141: {  	v32 =	vor.u32 v27, v21;
	_ =	sdelay $0x3  }
0x142: {  	v29 =	vadd.f32 v29, v28;
	_ =	sdelay $0x1  }
0x143: {  	[tilespmem:v31+s21+$0x0] =	vst.idx.msk $0xffff, v29  }
0x144: {  	v29 =	vld.idx.msk [tilespmem:v32+s16+$0x0], $0xffff  }
0x145: {  	v31 =	vor.u32 v12, v30  }
0x146: {  	v32 =	vor.u32 v27, v22;
	_ =	sdelay $0x3  }
0x147: {  	v29 =	vadd.f32 v29, v28;
	_ =	sdelay $0x1  }
0x148: {  	[tilespmem:v31+s21+$0x0] =	vst.idx.msk $0xffff, v29  }
0x149: {  	v29 =	vld.idx.msk [tilespmem:v32+s16+$0x0], $0xffff  }
0x14a: {  	v31 =	vor.u32 v13, v30  }
0x14b: {  	v32 =	vor.u32 v27, v23;
	_ =	sdelay $0x3  }
0x14c: {  	v29 =	vadd.f32 v29, v28;
	_ =	sdelay $0x1  }
0x14d: {  	[tilespmem:v31+s21+$0x0] =	vst.idx.msk $0xffff, v29  }
0x14e: {  	v29 =	vld.idx.msk [tilespmem:v32+s16+$0x0], $0xffff  }
0x14f: {  	v31 =	vor.u32 v14, v30  }
0x150: {  	v27 =	vor.u32 v27, v24;
	_ =	sdelay $0x3  }
0x151: {  	v29 =	vadd.f32 v29, v28;
	_ =	sdelay $0x1  }
0x152: {  	[tilespmem:v31+s21+$0x0] =	vst.idx.msk $0xffff, v29  }
0x153: {  	v27 =	vld.idx.msk [tilespmem:v27+s16+$0x0], $0xffff  }
0x154: {  	v29 =	vor.u32 v15, v30;
	_ =	sdelay $0x1  }
0x155: {  	v26 =	vor.u32 $0x20, v26  }
0x156: {  	v32 =	vshll.u32 v26, $0x7;
	v30 =	vor.u32 v16, v26;
	v31 =	vor.u32 v26, v17;
	_ =	sdelay $0x1  }
0x157: {  	v27 =	vadd.f32 v27, v28;
	_ =	sdelay $0x1  }
0x158: {  	[tilespmem:v29+s21+$0x0] =	vst.idx.msk $0xffff, v27  }
0x159: {  	v27 =	vld.idx.msk [tilespmem:v30+s11+$0x0], $0xffff  }
0x15a: {  	v29 =	vor.u32 v0, v32;
	v28 =	vld.idx.msk [tilespmem:v31+s16+$0x0], $0xffff  }
0x15b: {  	v30 =	vor.u32 v26, v18;
	_ =	sdelay $0x4  }
0x15c: {  	v28 =	vadd.f32 v28, v27;
	_ =	sdelay $0x1  }
0x15d: {  	[tilespmem:v29+s21+$0x0] =	vst.idx.msk $0xffff, v28  }
0x15e: {  	v29 =	vor.u32 v9, v32;
	v28 =	vld.idx.msk [tilespmem:v30+s16+$0x0], $0xffff  }
0x15f: {  	v30 =	vor.u32 v26, v19;
	_ =	sdelay $0x4  }
0x160: {  	v28 =	vadd.f32 v28, v27;
	_ =	sdelay $0x1  }
0x161: {  	[tilespmem:v29+s21+$0x0] =	vst.idx.msk $0xffff, v28  }
0x162: {  	v29 =	vor.u32 v10, v32;
	v28 =	vld.idx.msk [tilespmem:v30+s16+$0x0], $0xffff  }
0x163: {  	v30 =	vor.u32 v26, v20;
	_ =	sdelay $0x4  }
0x164: {  	v28 =	vadd.f32 v28, v27;
	_ =	sdelay $0x1  }
0x165: {  	[tilespmem:v29+s21+$0x0] =	vst.idx.msk $0xffff, v28  }
0x166: {  	v29 =	vor.u32 v11, v32;
	v28 =	vld.idx.msk [tilespmem:v30+s16+$0x0], $0xffff  }
0x167: {  	v30 =	vor.u32 v26, v21;
	_ =	sdelay $0x4  }
0x168: {  	v28 =	vadd.f32 v28, v27;
	_ =	sdelay $0x1  }
0x169: {  	[tilespmem:v29+s21+$0x0] =	vst.idx.msk $0xffff, v28  }
0x16a: {  	v29 =	vor.u32 v12, v32;
	v28 =	vld.idx.msk [tilespmem:v30+s16+$0x0], $0xffff  }
0x16b: {  	v30 =	vor.u32 v26, v22;
	_ =	sdelay $0x4  }
0x16c: {  	v28 =	vadd.f32 v28, v27;
	_ =	sdelay $0x1  }
0x16d: {  	[tilespmem:v29+s21+$0x0] =	vst.idx.msk $0xffff, v28  }
0x16e: {  	v29 =	vor.u32 v13, v32;
	v28 =	vld.idx.msk [tilespmem:v30+s16+$0x0], $0xffff  }
0x16f: {  	v30 =	vor.u32 v26, v23;
	_ =	sdelay $0x4  }
0x170: {  	v28 =	vadd.f32 v28, v27;
	_ =	sdelay $0x1  }
0x171: {  	[tilespmem:v29+s21+$0x0] =	vst.idx.msk $0xffff, v28  }
0x172: {  	v29 =	vor.u32 v14, v32;
	v28 =	vld.idx.msk [tilespmem:v30+s16+$0x0], $0xffff  }
0x173: {  	v26 =	vor.u32 v26, v24;
	_ =	sdelay $0x4  }
0x174: {  	v28 =	vadd.f32 v28, v27;
	_ =	sdelay $0x1  }
0x175: {  	[tilespmem:v29+s21+$0x0] =	vst.idx.msk $0xffff, v28  }
0x176: {  	v28 =	vor.u32 v15, v32;
	v26 =	vld.idx.msk [tilespmem:v26+s16+$0x0], $0xffff;
	_ =	sdelay $0x3  }
0x177: {  	v30 =	vor.u32 v25, v17;
	v29 =	vor.u32 v16, v25;
	_ =	sdelay $0x1  }
0x178: {  	v26 =	vadd.f32 v26, v27;
	_ =	sdelay $0x1  }
0x179: {  	[tilespmem:v28+s21+$0x0] =	vst.idx.msk $0xffff, v26;
	v26 =	vshll.u32 v25, $0x7  }
0x17a: {  	v28 =	vld.idx.msk [tilespmem:v29+s11+$0x0], $0xffff;
	v27 =	vor.u32 v0, v26  }
0x17b: {  	v29 =	vld.idx.msk [tilespmem:v30+s16+$0x0], $0xffff;
	v30 =	vor.u32 v25, v18;
	_ =	sdelay $0x5  }
0x17c: {  	v29 =	vadd.f32 v29, v28;
	_ =	sdelay $0x1  }
0x17d: {  	[tilespmem:v27+s21+$0x0] =	vst.idx.msk $0xffff, v29;
	v27 =	vor.u32 v9, v26  }
0x17e: {  	v29 =	vld.idx.msk [tilespmem:v30+s16+$0x0], $0xffff;
	v30 =	vor.u32 v25, v19;
	_ =	sdelay $0x5  }
0x17f: {  	v29 =	vadd.f32 v29, v28;
	_ =	sdelay $0x1  }
0x180: {  	[tilespmem:v27+s21+$0x0] =	vst.idx.msk $0xffff, v29;
	v27 =	vor.u32 v10, v26  }
0x181: {  	v29 =	vld.idx.msk [tilespmem:v30+s16+$0x0], $0xffff;
	v30 =	vor.u32 v25, v20;
	_ =	sdelay $0x5  }
0x182: {  	v29 =	vadd.f32 v29, v28;
	_ =	sdelay $0x1  }
0x183: {  	[tilespmem:v27+s21+$0x0] =	vst.idx.msk $0xffff, v29;
	v27 =	vor.u32 v11, v26  }
0x184: {  	v29 =	vld.idx.msk [tilespmem:v30+s16+$0x0], $0xffff;
	v30 =	vor.u32 v25, v21;
	_ =	sdelay $0x5  }
0x185: {  	v29 =	vadd.f32 v29, v28;
	_ =	sdelay $0x1  }
0x186: {  	[tilespmem:v27+s21+$0x0] =	vst.idx.msk $0xffff, v29;
	v27 =	vor.u32 v12, v26  }
0x187: {  	v29 =	vld.idx.msk [tilespmem:v30+s16+$0x0], $0xffff;
	v30 =	vor.u32 v25, v22;
	_ =	sdelay $0x5  }
0x188: {  	v29 =	vadd.f32 v29, v28;
	_ =	sdelay $0x1  }
0x189: {  	[tilespmem:v27+s21+$0x0] =	vst.idx.msk $0xffff, v29;
	v27 =	vor.u32 v13, v26  }
0x18a: {  	v29 =	vld.idx.msk [tilespmem:v30+s16+$0x0], $0xffff;
	v30 =	vor.u32 v25, v23;
	_ =	sdelay $0x5  }
0x18b: {  	v29 =	vadd.f32 v29, v28;
	_ =	sdelay $0x1  }
0x18c: {  	[tilespmem:v27+s21+$0x0] =	vst.idx.msk $0xffff, v29;
	v27 =	vor.u32 v14, v26  }
0x18d: {  	v25 =	vor.u32 v25, v24;
	v29 =	vld.idx.msk [tilespmem:v30+s16+$0x0], $0xffff;
	_ =	sdelay $0x5  }
0x18e: {  	v29 =	vadd.f32 v29, v28;
	_ =	sdelay $0x1  }
.Ltmp2:
0x18f: {  	[tilespmem:v27+s21+$0x0] =	vst.idx.msk $0xffff, v29;
	v29 =	vor.u32 v15, v26;
	(pc) =	sbr.rel @p2 .LBB2_6-.Ltmp2, $3  }
0x190: {  	v30 =	vld.idx.msk [tilespmem:v25+s16+$0x0], $0xffff;
	_ =	sdelay $0x1  }
0x191: {  	v25 =	vadd.s32 s15, v0  }
0x192: {  	v26 =	vand.u32 $0xF, v25;
	v27 =	vor.u32 $0x10, v25;
	v25 =	vor.u32 $0x30, v25  }
0x193: {  	v31 =	vor.u32 v16, v26  }
0x194: {  	v32 =	vor.u32 v26, v17  }
0x195: {  	v28 =	vadd.f32 v30, v28;
	_ =	sdelay $0x1  }
0x196: {  	[tilespmem:v29+s21+$0x0] =	vst.idx.msk $0xffff, v28  }
0x197: {  	v28 =	vld.idx.msk [tilespmem:v31+s11+$0x0], $0xffff  }
0x198: {  	v29 =	vld.idx.msk [tilespmem:v32+s16+$0x0], $0xffff  }
0x199: {  	v30 =	vshll.u32 v26, $0x7  }
0x19a: {  	v31 =	vor.u32 v0, v30  }
0x19b: {  	v43 =	vor.u32 v26, v18;
	_ =	sdelay $0x1  }
0x19c: {  	v29 =	vadd.f32 v29, v28;
	_ =	sdelay $0x1  }
0x19d: {  	[tilespmem:v31+s21+$0x0] =	vst.idx.msk $0xffff, v29  }
0x19e: {  	v29 =	vld.idx.msk [tilespmem:v43+s16+$0x0], $0xffff;
	_ =	sdelay $0x1  }
0x19f: {  	v31 =	vor.u32 v9, v30  }
0x1a0: {  	v44 =	vor.u32 v26, v19;
	_ =	sdelay $0x1  }
0x1a1: {  	v29 =	vadd.f32 v29, v28;
	_ =	sdelay $0x1  }
0x1a2: {  	[tilespmem:v31+s21+$0x0] =	vst.idx.msk $0xffff, v29  }
0x1a3: {  	v29 =	vld.idx.msk [tilespmem:v44+s16+$0x0], $0xffff;
	_ =	sdelay $0x1  }
0x1a4: {  	v31 =	vor.u32 v10, v30  }
0x1a5: {  	v45 =	vor.u32 v26, v20;
	_ =	sdelay $0x1  }
0x1a6: {  	v29 =	vadd.f32 v29, v28;
	_ =	sdelay $0x1  }
0x1a7: {  	[tilespmem:v31+s21+$0x0] =	vst.idx.msk $0xffff, v29  }
0x1a8: {  	v29 =	vld.idx.msk [tilespmem:v45+s16+$0x0], $0xffff;
	_ =	sdelay $0x1  }
0x1a9: {  	v31 =	vor.u32 v11, v30  }
0x1aa: {  	v46 =	vor.u32 v26, v21;
	_ =	sdelay $0x1  }
0x1ab: {  	v29 =	vadd.f32 v29, v28;
	_ =	sdelay $0x1  }
0x1ac: {  	[tilespmem:v31+s21+$0x0] =	vst.idx.msk $0xffff, v29  }
0x1ad: {  	v29 =	vld.idx.msk [tilespmem:v46+s16+$0x0], $0xffff;
	_ =	sdelay $0x1  }
0x1ae: {  	v31 =	vor.u32 v12, v30  }
0x1af: {  	v47 =	vor.u32 v26, v22;
	_ =	sdelay $0x1  }
0x1b0: {  	v29 =	vadd.f32 v29, v28;
	_ =	sdelay $0x1  }
0x1b1: {  	[tilespmem:v31+s21+$0x0] =	vst.idx.msk $0xffff, v29  }
0x1b2: {  	v29 =	vld.idx.msk [tilespmem:v47+s16+$0x0], $0xffff;
	_ =	sdelay $0x1  }
0x1b3: {  	v31 =	vor.u32 v13, v30  }
0x1b4: {  	v48 =	vor.u32 v26, v23;
	_ =	sdelay $0x1  }
0x1b5: {  	v29 =	vadd.f32 v29, v28;
	_ =	sdelay $0x1  }
0x1b6: {  	[tilespmem:v31+s21+$0x0] =	vst.idx.msk $0xffff, v29  }
0x1b7: {  	v29 =	vld.idx.msk [tilespmem:v48+s16+$0x0], $0xffff;
	_ =	sdelay $0x1  }
0x1b8: {  	v31 =	vor.u32 v14, v30  }
0x1b9: {  	v49 =	vor.u32 v26, v24;
	_ =	sdelay $0x1  }
0x1ba: {  	v29 =	vadd.f32 v29, v28;
	_ =	sdelay $0x1  }
0x1bb: {  	[tilespmem:v31+s21+$0x0] =	vst.idx.msk $0xffff, v29  }
0x1bc: {  	v29 =	vld.idx.msk [tilespmem:v49+s16+$0x0], $0xffff;
	_ =	sdelay $0x1  }
0x1bd: {  	v30 =	vor.u32 v15, v30  }
0x1be: {  	v31 =	vor.u32 v16, v27  }
0x1bf: {  	v50 =	vor.u32 v27, v17  }
0x1c0: {  	v28 =	vadd.f32 v29, v28;
	_ =	sdelay $0x1  }
0x1c1: {  	[tilespmem:v30+s21+$0x0] =	vst.idx.msk $0xffff, v28  }
0x1c2: {  	v28 =	vld.idx.msk [tilespmem:v31+s11+$0x0], $0xffff  }
0x1c3: {  	v29 =	vld.idx.msk [tilespmem:v50+s16+$0x0], $0xffff  }
0x1c4: {  	v30 =	vshll.u32 v27, $0x7  }
0x1c5: {  	v31 =	vor.u32 v0, v30  }
0x1c6: {  	v51 =	vor.u32 v27, v18;
	_ =	sdelay $0x1  }
0x1c7: {  	v29 =	vadd.f32 v29, v28;
	_ =	sdelay $0x1  }
0x1c8: {  	[tilespmem:v31+s21+$0x0] =	vst.idx.msk $0xffff, v29  }
0x1c9: {  	v29 =	vld.idx.msk [tilespmem:v51+s16+$0x0], $0xffff;
	_ =	sdelay $0x1  }
0x1ca: {  	v31 =	vor.u32 v9, v30  }
0x1cb: {  	v52 =	vor.u32 v27, v19;
	_ =	sdelay $0x1  }
0x1cc: {  	v29 =	vadd.f32 v29, v28;
	_ =	sdelay $0x1  }
0x1cd: {  	[tilespmem:v31+s21+$0x0] =	vst.idx.msk $0xffff, v29  }
0x1ce: {  	v29 =	vld.idx.msk [tilespmem:v52+s16+$0x0], $0xffff;
	_ =	sdelay $0x1  }
0x1cf: {  	v31 =	vor.u32 v10, v30  }
0x1d0: {  	v53 =	vor.u32 v27, v20;
	_ =	sdelay $0x1  }
0x1d1: {  	v29 =	vadd.f32 v29, v28;
	_ =	sdelay $0x1  }
0x1d2: {  	[tilespmem:v31+s21+$0x0] =	vst.idx.msk $0xffff, v29  }
0x1d3: {  	v29 =	vld.idx.msk [tilespmem:v53+s16+$0x0], $0xffff;
	_ =	sdelay $0x1  }
0x1d4: {  	v31 =	vor.u32 v11, v30  }
0x1d5: {  	v54 =	vor.u32 v27, v21;
	_ =	sdelay $0x1  }
0x1d6: {  	v29 =	vadd.f32 v29, v28;
	_ =	sdelay $0x1  }
0x1d7: {  	[tilespmem:v31+s21+$0x0] =	vst.idx.msk $0xffff, v29  }
0x1d8: {  	v29 =	vld.idx.msk [tilespmem:v54+s16+$0x0], $0xffff;
	_ =	sdelay $0x1  }
0x1d9: {  	v31 =	vor.u32 v12, v30  }
0x1da: {  	v55 =	vor.u32 v27, v22;
	_ =	sdelay $0x1  }
0x1db: {  	v29 =	vadd.f32 v29, v28;
	_ =	sdelay $0x1  }
0x1dc: {  	[tilespmem:v31+s21+$0x0] =	vst.idx.msk $0xffff, v29  }
0x1dd: {  	v29 =	vld.idx.msk [tilespmem:v55+s16+$0x0], $0xffff;
	_ =	sdelay $0x1  }
0x1de: {  	v31 =	vor.u32 v13, v30  }
0x1df: {  	v56 =	vor.u32 v27, v23;
	_ =	sdelay $0x1  }
0x1e0: {  	v29 =	vadd.f32 v29, v28;
	_ =	sdelay $0x1  }
0x1e1: {  	[tilespmem:v31+s21+$0x0] =	vst.idx.msk $0xffff, v29  }
0x1e2: {  	v29 =	vld.idx.msk [tilespmem:v56+s16+$0x0], $0xffff;
	_ =	sdelay $0x1  }
0x1e3: {  	v31 =	vor.u32 v14, v30  }
0x1e4: {  	v27 =	vor.u32 v27, v24;
	_ =	sdelay $0x1  }
0x1e5: {  	v29 =	vadd.f32 v29, v28;
	_ =	sdelay $0x1  }
0x1e6: {  	[tilespmem:v31+s21+$0x0] =	vst.idx.msk $0xffff, v29  }
0x1e7: {  	v27 =	vld.idx.msk [tilespmem:v27+s16+$0x0], $0xffff;
	_ =	sdelay $0x1  }
0x1e8: {  	v26 =	vor.u32 $0x20, v26;
	v29 =	vor.u32 v15, v30  }
0x1e9: {  	v30 =	vor.u32 v16, v26  }
0x1ea: {  	v31 =	vor.u32 v26, v17  }
0x1eb: {  	v27 =	vadd.f32 v27, v28;
	_ =	sdelay $0x1  }
0x1ec: {  	[tilespmem:v29+s21+$0x0] =	vst.idx.msk $0xffff, v27  }
0x1ed: {  	v27 =	vld.idx.msk [tilespmem:v30+s11+$0x0], $0xffff  }
0x1ee: {  	v28 =	vld.idx.msk [tilespmem:v31+s16+$0x0], $0xffff  }
0x1ef: {  	v29 =	vshll.u32 v26, $0x7  }
0x1f0: {  	v30 =	vor.u32 v0, v29  }
0x1f1: {  	v31 =	vor.u32 v26, v18;
	_ =	sdelay $0x1  }
0x1f2: {  	v28 =	vadd.f32 v28, v27;
	_ =	sdelay $0x1  }
0x1f3: {  	[tilespmem:v30+s21+$0x0] =	vst.idx.msk $0xffff, v28  }
0x1f4: {  	v28 =	vld.idx.msk [tilespmem:v31+s16+$0x0], $0xffff;
	_ =	sdelay $0x1  }
0x1f5: {  	v30 =	vor.u32 v9, v29  }
0x1f6: {  	v31 =	vor.u32 v26, v19;
	_ =	sdelay $0x1  }
0x1f7: {  	v28 =	vadd.f32 v28, v27;
	_ =	sdelay $0x1  }
0x1f8: {  	[tilespmem:v30+s21+$0x0] =	vst.idx.msk $0xffff, v28  }
0x1f9: {  	v28 =	vld.idx.msk [tilespmem:v31+s16+$0x0], $0xffff;
	_ =	sdelay $0x1  }
0x1fa: {  	v30 =	vor.u32 v10, v29  }
0x1fb: {  	v31 =	vor.u32 v26, v20;
	_ =	sdelay $0x1  }
0x1fc: {  	v28 =	vadd.f32 v28, v27;
	_ =	sdelay $0x1  }
0x1fd: {  	[tilespmem:v30+s21+$0x0] =	vst.idx.msk $0xffff, v28  }
0x1fe: {  	v28 =	vld.idx.msk [tilespmem:v31+s16+$0x0], $0xffff;
	_ =	sdelay $0x1  }
0x1ff: {  	v30 =	vor.u32 v11, v29  }
0x200: {  	v31 =	vor.u32 v26, v21;
	_ =	sdelay $0x1  }
0x201: {  	v28 =	vadd.f32 v28, v27;
	_ =	sdelay $0x1  }
0x202: {  	[tilespmem:v30+s21+$0x0] =	vst.idx.msk $0xffff, v28  }
0x203: {  	v28 =	vld.idx.msk [tilespmem:v31+s16+$0x0], $0xffff;
	_ =	sdelay $0x1  }
0x204: {  	v30 =	vor.u32 v12, v29  }
0x205: {  	v31 =	vor.u32 v26, v22;
	_ =	sdelay $0x1  }
0x206: {  	v28 =	vadd.f32 v28, v27;
	_ =	sdelay $0x1  }
0x207: {  	[tilespmem:v30+s21+$0x0] =	vst.idx.msk $0xffff, v28  }
0x208: {  	v28 =	vld.idx.msk [tilespmem:v31+s16+$0x0], $0xffff;
	_ =	sdelay $0x1  }
0x209: {  	v30 =	vor.u32 v13, v29  }
0x20a: {  	v31 =	vor.u32 v26, v23;
	_ =	sdelay $0x1  }
0x20b: {  	v28 =	vadd.f32 v28, v27;
	_ =	sdelay $0x1  }
0x20c: {  	[tilespmem:v30+s21+$0x0] =	vst.idx.msk $0xffff, v28  }
0x20d: {  	v28 =	vld.idx.msk [tilespmem:v31+s16+$0x0], $0xffff;
	_ =	sdelay $0x1  }
0x20e: {  	v30 =	vor.u32 v14, v29  }
0x20f: {  	v26 =	vor.u32 v26, v24;
	_ =	sdelay $0x1  }
0x210: {  	v28 =	vadd.f32 v28, v27;
	_ =	sdelay $0x1  }
0x211: {  	[tilespmem:v30+s21+$0x0] =	vst.idx.msk $0xffff, v28  }
0x212: {  	v26 =	vld.idx.msk [tilespmem:v26+s16+$0x0], $0xffff;
	_ =	sdelay $0x1  }
0x213: {  	v28 =	vor.u32 v15, v29  }
0x214: {  	v16 =	vor.u32 v16, v25  }
0x215: {  	v17 =	vor.u32 v25, v17  }
0x216: {  	v26 =	vadd.f32 v26, v27;
	_ =	sdelay $0x1  }
0x217: {  	[tilespmem:v28+s21+$0x0] =	vst.idx.msk $0xffff, v26  }
0x218: {  	v16 =	vld.idx.msk [tilespmem:v16+s11+$0x0], $0xffff  }
0x219: {  	v17 =	vld.idx.msk [tilespmem:v17+s16+$0x0], $0xffff  }
0x21a: {  	v26 =	vshll.u32 v25, $0x7  }
0x21b: {  	v27 =	vor.u32 v0, v26  }
0x21c: {  	v18 =	vor.u32 v25, v18;
	_ =	sdelay $0x1  }
0x21d: {  	v17 =	vadd.f32 v17, v16;
	_ =	sdelay $0x1  }
0x21e: {  	[tilespmem:v27+s21+$0x0] =	vst.idx.msk $0xffff, v17  }
0x21f: {  	v17 =	vld.idx.msk [tilespmem:v18+s16+$0x0], $0xffff;
	_ =	sdelay $0x1  }
0x220: {  	v18 =	vor.u32 v9, v26  }
0x221: {  	v19 =	vor.u32 v25, v19;
	_ =	sdelay $0x1  }
0x222: {  	v17 =	vadd.f32 v17, v16;
	_ =	sdelay $0x1  }
0x223: {  	[tilespmem:v18+s21+$0x0] =	vst.idx.msk $0xffff, v17  }
0x224: {  	v17 =	vld.idx.msk [tilespmem:v19+s16+$0x0], $0xffff;
	_ =	sdelay $0x1  }
0x225: {  	v18 =	vor.u32 v10, v26  }
0x226: {  	v19 =	vor.u32 v25, v20;
	_ =	sdelay $0x1  }
0x227: {  	v17 =	vadd.f32 v17, v16;
	_ =	sdelay $0x1  }
0x228: {  	[tilespmem:v18+s21+$0x0] =	vst.idx.msk $0xffff, v17  }
0x229: {  	v17 =	vld.idx.msk [tilespmem:v19+s16+$0x0], $0xffff;
	_ =	sdelay $0x1  }
0x22a: {  	v18 =	vor.u32 v11, v26  }
0x22b: {  	v19 =	vor.u32 v25, v21;
	_ =	sdelay $0x1  }
0x22c: {  	v17 =	vadd.f32 v17, v16;
	_ =	sdelay $0x1  }
0x22d: {  	[tilespmem:v18+s21+$0x0] =	vst.idx.msk $0xffff, v17  }
0x22e: {  	v17 =	vld.idx.msk [tilespmem:v19+s16+$0x0], $0xffff;
	_ =	sdelay $0x1  }
0x22f: {  	v18 =	vor.u32 v12, v26  }
0x230: {  	v19 =	vor.u32 v25, v22;
	_ =	sdelay $0x1  }
0x231: {  	v17 =	vadd.f32 v17, v16;
	_ =	sdelay $0x1  }
0x232: {  	[tilespmem:v18+s21+$0x0] =	vst.idx.msk $0xffff, v17  }
0x233: {  	v17 =	vld.idx.msk [tilespmem:v19+s16+$0x0], $0xffff;
	_ =	sdelay $0x1  }
0x234: {  	v18 =	vor.u32 v13, v26  }
0x235: {  	v19 =	vor.u32 v25, v23;
	_ =	sdelay $0x1  }
0x236: {  	v17 =	vadd.f32 v17, v16;
	_ =	sdelay $0x1  }
0x237: {  	[tilespmem:v18+s21+$0x0] =	vst.idx.msk $0xffff, v17  }
0x238: {  	v17 =	vld.idx.msk [tilespmem:v19+s16+$0x0], $0xffff;
	_ =	sdelay $0x1  }
0x239: {  	v18 =	vor.u32 v14, v26  }
0x23a: {  	v19 =	vor.u32 v25, v24;
	_ =	sdelay $0x1  }
0x23b: {  	v17 =	vadd.f32 v17, v16;
	_ =	sdelay $0x1  }
0x23c: {  	[tilespmem:v18+s21+$0x0] =	vst.idx.msk $0xffff, v17  }
0x23d: {  	v17 =	vld.idx.msk [tilespmem:v19+s16+$0x0], $0xffff;
	_ =	sdelay $0x1  }
0x23e: {  	v18 =	vor.u32 v15, v26;
	_ =	sdelay $0x1  }
0x23f: {  	s2 =	sshll.u32 s30, $0x13  }
0x240: {  	s2 =	sor.u32 s5, s2;
	v16 =	vadd.f32 v17, v16  }
0x241: {  	s2 =	sshrl.u32 s2, $0x3  }
0x242: {  	s2 =	sadd.s32 s3, s2;
	[tilespmem:v18+s21+$0x0] =	vst.idx.msk $0xffff, v16  }
0x243: {  	[hbm4b:s2+s22] =	stream.strided.scatter [tilespmem:s21], [sflag:$0x5], $0x2000, s23, s22, $0x38;
	[tilespmem:$0x12600] =	vst v63  }
0x244: {  	s2 =	simm.s32 @!p0 $0x1  }
0x245: {  	_ =	swait.ge @!p0 [sflag:s2], $0x80  }
0x246: {  	[sflag:s2] =	ssyncset.done @!p0 $0x0  }
0x247: {  	[sflag:s2] =	ssyncadd.s32 @!p0 $0xFFFFFF80  }
0x248: {  	v16 =	vld @!p0 [tilespmem:$0x0]  }
0x249: {  	v17 =	vld @!p0 [tilespmem:$0x10]  }
0x24a: {  	v18 =	vld @!p0 [tilespmem:$0x20]  }
0x24b: {  	v19 =	vld @!p0 [tilespmem:$0x30]  }
0x24c: {  	v20 =	vld @!p0 [tilespmem:$0x40]  }
0x24d: {  	v21 =	vld @!p0 [tilespmem:$0x50];
	v16 =	vshrl.u32 @!p0 v16, $0x1  }
0x24e: {  	[tilespmem:$0x100] =	vst @!p0 v16;
	v16 =	vshrl.u32 @!p0 v17, $0x1;
	v17 =	vld @!p0 [tilespmem:$0x60]  }
0x24f: {  	[tilespmem:$0x110] =	vst @!p0 v16;
	v16 =	vshrl.u32 @!p0 v18, $0x1;
	v18 =	vld @!p0 [tilespmem:$0x70]  }
0x250: {  	[tilespmem:$0x120] =	vst @!p0 v16;
	v16 =	vshrl.u32 @!p0 v19, $0x1  }
0x251: {  	[tilespmem:$0x130] =	vst @!p0 v16;
	v16 =	vshrl.u32 @!p0 v20, $0x1  }
0x252: {  	[tilespmem:$0x140] =	vst @!p0 v16;
	v16 =	vshrl.u32 @!p0 v21, $0x1  }
0x253: {  	[tilespmem:$0x150] =	vst @!p0 v16;
	v16 =	vshrl.u32 @!p0 v17, $0x1  }
0x254: {  	[tilespmem:$0x160] =	vst @!p0 v16;
	v16 =	vshrl.u32 @!p0 v18, $0x1  }
0x255: {  	s15 =	simm.s32 @!p0 $0x100;
	s8 =	simm.s32 @!p0 $0x200;
	s2 =	simm.s32 @!p0 $0x80;
	[tilespmem:$0x170] =	vst @!p0 v16  }
0x256: {  	[tilespmem:s8], [sflag:$0x3] =	stream.indirect.gather @!p0 [hbm4b:s6+s2], $0x80, s15, s2, $0xb8;
	[tilespmem:$0x12600] =	vst v63  }
0x257: {  	_ =	swait.ge [sflag:s24], $0x4000  }
0x258: {  	[sflag:s24] =	ssyncset.done $0x0  }
0x259: {  	[sflag:s24] =	ssyncadd.s32 $0xFFFFC000  }
0x25a: {  	s0 =	sadd.s32 @!p0 $0x3, s0;
	v16 =	vld [tilespmem:$0x80]  }
0x25b: {  	s8 =	sshll.u32 @!p0 s0, $0x7;
	s0 =	sshll.u32 @!p0 s0, $0xC;
	v18 =	vld [tilespmem:$0x90]  }
0x25c: {  	s8 =	sand.u32 @!p0 $0x380, s8;
	s0 =	sand.u32 @!p0 $0x1F8000, s0;
	v19 =	vld [tilespmem:$0xA0]  }
0x25d: {  	s0 =	sor.u32 @!p0 s0, s8;
	v20 =	vld [tilespmem:$0xB0]  }
0x25e: {  	s0 =	sor.u32 @!p0 s5, s0;
	v21 =	vld [tilespmem:$0xC0]  }
0x25f: {  	v22 =	vld [tilespmem:$0xD0];
	s0 =	sshrl.u32 @!p0 s0, $0x3  }
0x260: {  	s8 =	simm.s32 @!p0 $0x0;
	v23 =	vld [tilespmem:$0xE0];
	s0 =	sadd.s32 @!p0 s1, s0  }
0x261: {  	v24 =	vld [tilespmem:$0xF0];
	[tilespmem:s2], [sflag:$0x2] =	stream.linear.gather @!p0 [hbm4b:s0+s8], $0x80, $0x38  }
0x262: {  	s2 =	simm.s32 $0x0  }
0x263: {  	s8 =	sshll.u32 s31, $0x7;
	v25 =	vadd.s32 s2, v0;
	v16 =	vshll.u32 v16, $0x6  }
0x264: {  	v26 =	vand.u32 $0xF, v25;
	v17 =	vand.u32 $0x40, v16;
	v16 =	vmov s8  }
0x265: {  	v17 =	vor.u32 v1, v17;
	v27 =	vor.u32 v16, v26  }
0x266: {  	p0 =	por p0, !p1;
	v28 =	vor.u32 v26, v17  }
0x267: {  	_ =	swait.ge @p0 [sflag:s28], $0x2000  }
0x268: {  	[sflag:s28] =	ssyncset.done @p0 $0x0  }
0x269: {  	[sflag:s28] =	ssyncadd.s32 @p0 $0xFFFFE000  }
0x26a: {  	v27 =	vld.idx.msk [tilespmem:v27+s11+$0x0], $0xffff  }
0x26b: {  	v18 =	vshll.u32 v18, $0x6;
	v28 =	vld.idx.msk [tilespmem:v28+s19+$0x0], $0xffff  }
0x26c: {  	v29 =	vshll.u32 v26, $0x7;
	v18 =	vand.u32 $0x40, v18  }
0x26d: {  	v30 =	vor.u32 v0, v29;
	v18 =	vor.u32 v2, v18  }
0x26e: {  	v31 =	vor.u32 v26, v18;
	_ =	sdelay $0x1  }
0x26f: {  	v28 =	vadd.f32 v28, v27;
	_ =	sdelay $0x1  }
0x270: {  	[tilespmem:v30+s25+$0x0] =	vst.idx.msk $0xffff, v28  }
0x271: {  	v19 =	vshll.u32 v19, $0x6;
	v28 =	vld.idx.msk [tilespmem:v31+s19+$0x0], $0xffff  }
0x272: {  	v19 =	vand.u32 $0x40, v19  }
0x273: {  	v19 =	vor.u32 v3, v19;
	v30 =	vor.u32 v9, v29  }
0x274: {  	v31 =	vor.u32 v26, v19;
	_ =	sdelay $0x1  }
0x275: {  	v28 =	vadd.f32 v28, v27;
	_ =	sdelay $0x1  }
0x276: {  	[tilespmem:v30+s25+$0x0] =	vst.idx.msk $0xffff, v28  }
0x277: {  	v20 =	vshll.u32 v20, $0x6;
	v28 =	vld.idx.msk [tilespmem:v31+s19+$0x0], $0xffff  }
0x278: {  	v20 =	vand.u32 $0x40, v20  }
0x279: {  	v20 =	vor.u32 v4, v20;
	v30 =	vor.u32 v10, v29  }
0x27a: {  	v31 =	vor.u32 v26, v20;
	_ =	sdelay $0x1  }
0x27b: {  	v28 =	vadd.f32 v28, v27;
	_ =	sdelay $0x1  }
0x27c: {  	[tilespmem:v30+s25+$0x0] =	vst.idx.msk $0xffff, v28  }
0x27d: {  	v21 =	vshll.u32 v21, $0x6;
	v28 =	vld.idx.msk [tilespmem:v31+s19+$0x0], $0xffff  }
0x27e: {  	v21 =	vand.u32 $0x40, v21  }
0x27f: {  	v21 =	vor.u32 v5, v21;
	v30 =	vor.u32 v11, v29  }
0x280: {  	v31 =	vor.u32 v26, v21;
	_ =	sdelay $0x1  }
0x281: {  	v28 =	vadd.f32 v28, v27;
	_ =	sdelay $0x1  }
0x282: {  	[tilespmem:v30+s25+$0x0] =	vst.idx.msk $0xffff, v28  }
0x283: {  	v22 =	vshll.u32 v22, $0x6;
	v28 =	vld.idx.msk [tilespmem:v31+s19+$0x0], $0xffff  }
0x284: {  	v22 =	vand.u32 $0x40, v22  }
0x285: {  	v22 =	vor.u32 v6, v22;
	v30 =	vor.u32 v12, v29  }
0x286: {  	v31 =	vor.u32 v26, v22;
	_ =	sdelay $0x1  }
0x287: {  	v28 =	vadd.f32 v28, v27;
	_ =	sdelay $0x1  }
0x288: {  	[tilespmem:v30+s25+$0x0] =	vst.idx.msk $0xffff, v28  }
0x289: {  	v23 =	vshll.u32 v23, $0x6;
	v28 =	vld.idx.msk [tilespmem:v31+s19+$0x0], $0xffff  }
0x28a: {  	v23 =	vand.u32 $0x40, v23  }
0x28b: {  	v23 =	vor.u32 v7, v23;
	v30 =	vor.u32 v13, v29  }
0x28c: {  	v31 =	vor.u32 v26, v23;
	_ =	sdelay $0x1  }
0x28d: {  	v28 =	vadd.f32 v28, v27;
	_ =	sdelay $0x1  }
0x28e: {  	[tilespmem:v30+s25+$0x0] =	vst.idx.msk $0xffff, v28  }
0x28f: {  	v24 =	vshll.u32 v24, $0x6;
	v28 =	vld.idx.msk [tilespmem:v31+s19+$0x0], $0xffff  }
0x290: {  	v24 =	vand.u32 $0x40, v24  }
0x291: {  	v24 =	vor.u32 v8, v24;
	v30 =	vor.u32 v14, v29  }
0x292: {  	v31 =	vor.u32 v26, v24;
	_ =	sdelay $0x1  }
0x293: {  	v28 =	vadd.f32 v28, v27;
	_ =	sdelay $0x1  }
0x294: {  	[tilespmem:v30+s25+$0x0] =	vst.idx.msk $0xffff, v28  }
0x295: {  	v28 =	vld.idx.msk [tilespmem:v31+s19+$0x0], $0xffff;
	_ =	sdelay $0x1  }
0x296: {  	v29 =	vor.u32 v15, v29;
	v30 =	vor.u32 $0x10, v25  }
0x297: {  	v31 =	vor.u32 v16, v30  }
0x298: {  	v57 =	vor.u32 v30, v17  }
0x299: {  	v27 =	vadd.f32 v28, v27;
	_ =	sdelay $0x1  }
0x29a: {  	[tilespmem:v29+s25+$0x0] =	vst.idx.msk $0xffff, v27  }
0x29b: {  	v27 =	vld.idx.msk [tilespmem:v31+s11+$0x0], $0xffff  }
0x29c: {  	v28 =	vld.idx.msk [tilespmem:v57+s19+$0x0], $0xffff  }
0x29d: {  	v29 =	vshll.u32 v30, $0x7  }
0x29e: {  	v31 =	vor.u32 v0, v29  }
0x29f: {  	v58 =	vor.u32 v30, v18;
	_ =	sdelay $0x1  }
0x2a0: {  	v28 =	vadd.f32 v28, v27;
	_ =	sdelay $0x1  }
0x2a1: {  	[tilespmem:v31+s25+$0x0] =	vst.idx.msk $0xffff, v28  }
0x2a2: {  	v28 =	vld.idx.msk [tilespmem:v58+s19+$0x0], $0xffff;
	_ =	sdelay $0x1  }
0x2a3: {  	v31 =	vor.u32 v9, v29  }
0x2a4: {  	v59 =	vor.u32 v30, v19;
	_ =	sdelay $0x1  }
0x2a5: {  	v28 =	vadd.f32 v28, v27;
	_ =	sdelay $0x1  }
0x2a6: {  	[tilespmem:v31+s25+$0x0] =	vst.idx.msk $0xffff, v28  }
0x2a7: {  	v28 =	vld.idx.msk [tilespmem:v59+s19+$0x0], $0xffff;
	_ =	sdelay $0x1  }
0x2a8: {  	v31 =	vor.u32 v10, v29  }
0x2a9: {  	v60 =	vor.u32 v30, v20;
	_ =	sdelay $0x1  }
0x2aa: {  	v28 =	vadd.f32 v28, v27;
	_ =	sdelay $0x1  }
0x2ab: {  	[tilespmem:v31+s25+$0x0] =	vst.idx.msk $0xffff, v28  }
0x2ac: {  	v28 =	vld.idx.msk [tilespmem:v60+s19+$0x0], $0xffff;
	_ =	sdelay $0x1  }
0x2ad: {  	v31 =	vor.u32 v11, v29  }
0x2ae: {  	v61 =	vor.u32 v30, v21;
	_ =	sdelay $0x1  }
0x2af: {  	v28 =	vadd.f32 v28, v27;
	_ =	sdelay $0x1  }
0x2b0: {  	[tilespmem:v31+s25+$0x0] =	vst.idx.msk $0xffff, v28  }
0x2b1: {  	v28 =	vld.idx.msk [tilespmem:v61+s19+$0x0], $0xffff;
	_ =	sdelay $0x1  }
0x2b2: {  	v31 =	vor.u32 v12, v29  }
0x2b3: {  	v62 =	vor.u32 v30, v22;
	_ =	sdelay $0x1  }
0x2b4: {  	v28 =	vadd.f32 v28, v27;
	_ =	sdelay $0x1  }
0x2b5: {  	[tilespmem:v31+s25+$0x0] =	vst.idx.msk $0xffff, v28  }
0x2b6: {  	v28 =	vld.idx.msk [tilespmem:v62+s19+$0x0], $0xffff;
	_ =	sdelay $0x1  }
0x2b7: {  	v31 =	vor.u32 v13, v29  }
0x2b8: {  	v63 =	vor.u32 v30, v23;
	_ =	sdelay $0x1  }
0x2b9: {  	v28 =	vadd.f32 v28, v27;
	_ =	sdelay $0x1  }
0x2ba: {  	[tilespmem:v31+s25+$0x0] =	vst.idx.msk $0xffff, v28  }
0x2bb: {  	v28 =	vld.idx.msk [tilespmem:v63+s19+$0x0], $0xffff;
	_ =	sdelay $0x1  }
0x2bc: {  	v31 =	vor.u32 v14, v29  }
0x2bd: {  	v30 =	vor.u32 v30, v24;
	_ =	sdelay $0x1  }
0x2be: {  	v28 =	vadd.f32 v28, v27;
	_ =	sdelay $0x1  }
0x2bf: {  	[tilespmem:v31+s25+$0x0] =	vst.idx.msk $0xffff, v28  }
0x2c0: {  	v28 =	vld.idx.msk [tilespmem:v30+s19+$0x0], $0xffff;
	_ =	sdelay $0x1  }
0x2c1: {  	v26 =	vor.u32 $0x20, v26;
	v29 =	vor.u32 v15, v29  }
0x2c2: {  	v30 =	vor.u32 v16, v26  }
0x2c3: {  	v31 =	vor.u32 v26, v17  }
0x2c4: {  	v27 =	vadd.f32 v28, v27;
	_ =	sdelay $0x1  }
0x2c5: {  	[tilespmem:v29+s25+$0x0] =	vst.idx.msk $0xffff, v27  }
0x2c6: {  	v27 =	vld.idx.msk [tilespmem:v30+s11+$0x0], $0xffff  }
0x2c7: {  	v28 =	vld.idx.msk [tilespmem:v31+s19+$0x0], $0xffff  }
0x2c8: {  	v29 =	vshll.u32 v26, $0x7  }
0x2c9: {  	v30 =	vor.u32 v0, v29  }
0x2ca: {  	v31 =	vor.u32 v26, v18;
	_ =	sdelay $0x1  }
0x2cb: {  	v28 =	vadd.f32 v28, v27;
	_ =	sdelay $0x1  }
0x2cc: {  	[tilespmem:v30+s25+$0x0] =	vst.idx.msk $0xffff, v28  }
0x2cd: {  	v28 =	vld.idx.msk [tilespmem:v31+s19+$0x0], $0xffff;
	_ =	sdelay $0x1  }
0x2ce: {  	v30 =	vor.u32 v9, v29  }
0x2cf: {  	v31 =	vor.u32 v26, v19;
	_ =	sdelay $0x1  }
0x2d0: {  	v28 =	vadd.f32 v28, v27;
	_ =	sdelay $0x1  }
0x2d1: {  	[tilespmem:v30+s25+$0x0] =	vst.idx.msk $0xffff, v28  }
0x2d2: {  	v28 =	vld.idx.msk [tilespmem:v31+s19+$0x0], $0xffff;
	_ =	sdelay $0x1  }
0x2d3: {  	v30 =	vor.u32 v10, v29  }
0x2d4: {  	v31 =	vor.u32 v26, v20;
	_ =	sdelay $0x1  }
0x2d5: {  	v28 =	vadd.f32 v28, v27;
	_ =	sdelay $0x1  }
0x2d6: {  	[tilespmem:v30+s25+$0x0] =	vst.idx.msk $0xffff, v28  }
0x2d7: {  	v28 =	vld.idx.msk [tilespmem:v31+s19+$0x0], $0xffff;
	_ =	sdelay $0x1  }
0x2d8: {  	v30 =	vor.u32 v11, v29  }
0x2d9: {  	v31 =	vor.u32 v26, v21;
	_ =	sdelay $0x1  }
0x2da: {  	v28 =	vadd.f32 v28, v27;
	_ =	sdelay $0x1  }
0x2db: {  	[tilespmem:v30+s25+$0x0] =	vst.idx.msk $0xffff, v28  }
0x2dc: {  	v28 =	vld.idx.msk [tilespmem:v31+s19+$0x0], $0xffff;
	_ =	sdelay $0x1  }
0x2dd: {  	v30 =	vor.u32 v12, v29  }
0x2de: {  	v31 =	vor.u32 v26, v22;
	_ =	sdelay $0x1  }
0x2df: {  	v28 =	vadd.f32 v28, v27;
	_ =	sdelay $0x1  }
0x2e0: {  	[tilespmem:v30+s25+$0x0] =	vst.idx.msk $0xffff, v28  }
0x2e1: {  	v28 =	vld.idx.msk [tilespmem:v31+s19+$0x0], $0xffff;
	_ =	sdelay $0x1  }
0x2e2: {  	v30 =	vor.u32 v13, v29  }
0x2e3: {  	v31 =	vor.u32 v26, v23;
	_ =	sdelay $0x1  }
0x2e4: {  	v28 =	vadd.f32 v28, v27;
	_ =	sdelay $0x1  }
0x2e5: {  	[tilespmem:v30+s25+$0x0] =	vst.idx.msk $0xffff, v28  }
0x2e6: {  	v28 =	vld.idx.msk [tilespmem:v31+s19+$0x0], $0xffff;
	_ =	sdelay $0x1  }
0x2e7: {  	v30 =	vor.u32 v14, v29  }
0x2e8: {  	v26 =	vor.u32 v26, v24;
	_ =	sdelay $0x1  }
0x2e9: {  	v28 =	vadd.f32 v28, v27;
	_ =	sdelay $0x1  }
0x2ea: {  	[tilespmem:v30+s25+$0x0] =	vst.idx.msk $0xffff, v28  }
0x2eb: {  	v26 =	vld.idx.msk [tilespmem:v26+s19+$0x0], $0xffff;
	_ =	sdelay $0x1  }
0x2ec: {  	v25 =	vor.u32 $0x30, v25;
	v28 =	vor.u32 v15, v29  }
0x2ed: {  	v29 =	vor.u32 v16, v25  }
0x2ee: {  	v30 =	vor.u32 v25, v17  }
0x2ef: {  	v26 =	vadd.f32 v26, v27;
	_ =	sdelay $0x1  }
0x2f0: {  	[tilespmem:v28+s25+$0x0] =	vst.idx.msk $0xffff, v26  }
0x2f1: {  	v28 =	vld.idx.msk [tilespmem:v29+s11+$0x0], $0xffff  }
0x2f2: {  	v26 =	vld.idx.msk [tilespmem:v30+s19+$0x0], $0xffff  }
0x2f3: {  	v27 =	vshll.u32 v25, $0x7  }
0x2f4: {  	v29 =	vor.u32 v0, v27  }
0x2f5: {  	v30 =	vor.u32 v25, v18;
	_ =	sdelay $0x1  }
0x2f6: {  	v26 =	vadd.f32 v26, v28;
	_ =	sdelay $0x1  }
0x2f7: {  	[tilespmem:v29+s25+$0x0] =	vst.idx.msk $0xffff, v26  }
0x2f8: {  	v26 =	vld.idx.msk [tilespmem:v30+s19+$0x0], $0xffff;
	_ =	sdelay $0x1  }
0x2f9: {  	v29 =	vor.u32 v9, v27  }
0x2fa: {  	v30 =	vor.u32 v25, v19;
	_ =	sdelay $0x1  }
0x2fb: {  	v26 =	vadd.f32 v26, v28;
	_ =	sdelay $0x1  }
0x2fc: {  	[tilespmem:v29+s25+$0x0] =	vst.idx.msk $0xffff, v26  }
0x2fd: {  	v26 =	vld.idx.msk [tilespmem:v30+s19+$0x0], $0xffff;
	_ =	sdelay $0x1  }
0x2fe: {  	v29 =	vor.u32 v10, v27  }
0x2ff: {  	v30 =	vor.u32 v25, v20;
	_ =	sdelay $0x1  }
0x300: {  	v26 =	vadd.f32 v26, v28;
	_ =	sdelay $0x1  }
0x301: {  	[tilespmem:v29+s25+$0x0] =	vst.idx.msk $0xffff, v26  }
0x302: {  	v26 =	vld.idx.msk [tilespmem:v30+s19+$0x0], $0xffff;
	_ =	sdelay $0x1  }
0x303: {  	v29 =	vor.u32 v11, v27  }
0x304: {  	v30 =	vor.u32 v25, v21;
	_ =	sdelay $0x1  }
0x305: {  	v26 =	vadd.f32 v26, v28;
	_ =	sdelay $0x1  }
0x306: {  	[tilespmem:v29+s25+$0x0] =	vst.idx.msk $0xffff, v26  }
0x307: {  	v26 =	vld.idx.msk [tilespmem:v30+s19+$0x0], $0xffff;
	_ =	sdelay $0x1  }
0x308: {  	v29 =	vor.u32 v12, v27  }
0x309: {  	v30 =	vor.u32 v25, v22;
	_ =	sdelay $0x1  }
0x30a: {  	v26 =	vadd.f32 v26, v28;
	_ =	sdelay $0x1  }
0x30b: {  	[tilespmem:v29+s25+$0x0] =	vst.idx.msk $0xffff, v26  }
0x30c: {  	v26 =	vld.idx.msk [tilespmem:v30+s19+$0x0], $0xffff;
	_ =	sdelay $0x1  }
0x30d: {  	v29 =	vor.u32 v13, v27  }
0x30e: {  	v30 =	vor.u32 v25, v23;
	_ =	sdelay $0x1  }
0x30f: {  	v26 =	vadd.f32 v26, v28;
	_ =	sdelay $0x1  }
0x310: {  	[tilespmem:v29+s25+$0x0] =	vst.idx.msk $0xffff, v26  }
0x311: {  	v26 =	vld.idx.msk [tilespmem:v30+s19+$0x0], $0xffff;
	_ =	sdelay $0x1  }
0x312: {  	v29 =	vor.u32 v14, v27  }
0x313: {  	v25 =	vor.u32 v25, v24;
	_ =	sdelay $0x1  }
0x314: {  	v26 =	vadd.f32 v26, v28;
	_ =	sdelay $0x1  }
0x315: {  	[tilespmem:v29+s25+$0x0] =	vst.idx.msk $0xffff, v26  }
0x316: {  	s15 =	simm.s32 $0x1;
	v30 =	vld.idx.msk [tilespmem:v25+s19+$0x0], $0xffff  }
0x317: {  	v31 =	vadd.s32 s15, v0;
	v29 =	vor.u32 v15, v27  }
0x318: {  	s0 =	simm.s32 $0x2;
	v26 =	vand.u32 $0xF, v31;
	v27 =	vor.u32 $0x10, v31;
	v25 =	vor.u32 $0x30, v31  }
.LBB2_8:
0x319: {  	p0 =	sne.s32 s0, $0xF;
	v31 =	vor.u32 v16, v26;
	v32 =	vor.u32 v26, v17;
	s2 =	smov.u32 s0;
	s0 =	sadd.s32 $0x1, s0  }
0x31a: {  	_ = 	snop  }
0x31b: {  	v28 =	vadd.f32 v30, v28;
	_ =	sdelay $0x1  }
0x31c: {  	[tilespmem:v29+s25+$0x0] =	vst.idx.msk $0xffff, v28  }
0x31d: {  	v28 =	vld.idx.msk [tilespmem:v31+s11+$0x0], $0xffff  }
0x31e: {  	v29 =	vld.idx.msk [tilespmem:v32+s19+$0x0], $0xffff  }
0x31f: {  	v30 =	vshll.u32 v26, $0x7  }
0x320: {  	v31 =	vor.u32 v0, v30  }
0x321: {  	v32 =	vor.u32 v26, v18;
	_ =	sdelay $0x2  }
0x322: {  	v29 =	vadd.f32 v29, v28;
	_ =	sdelay $0x1  }
0x323: {  	[tilespmem:v31+s25+$0x0] =	vst.idx.msk $0xffff, v29  }
0x324: {  	v29 =	vld.idx.msk [tilespmem:v32+s19+$0x0], $0xffff;
	_ =	sdelay $0x1  }
0x325: {  	v31 =	vor.u32 v9, v30  }
0x326: {  	v32 =	vor.u32 v26, v19;
	_ =	sdelay $0x2  }
0x327: {  	v29 =	vadd.f32 v29, v28;
	_ =	sdelay $0x1  }
0x328: {  	[tilespmem:v31+s25+$0x0] =	vst.idx.msk $0xffff, v29  }
0x329: {  	v29 =	vld.idx.msk [tilespmem:v32+s19+$0x0], $0xffff;
	_ =	sdelay $0x1  }
0x32a: {  	v31 =	vor.u32 v10, v30  }
0x32b: {  	v32 =	vor.u32 v26, v20;
	_ =	sdelay $0x2  }
0x32c: {  	v29 =	vadd.f32 v29, v28;
	_ =	sdelay $0x1  }
0x32d: {  	[tilespmem:v31+s25+$0x0] =	vst.idx.msk $0xffff, v29  }
0x32e: {  	v29 =	vld.idx.msk [tilespmem:v32+s19+$0x0], $0xffff;
	_ =	sdelay $0x1  }
0x32f: {  	v31 =	vor.u32 v11, v30  }
0x330: {  	v32 =	vor.u32 v26, v21;
	_ =	sdelay $0x2  }
0x331: {  	v29 =	vadd.f32 v29, v28;
	_ =	sdelay $0x1  }
0x332: {  	[tilespmem:v31+s25+$0x0] =	vst.idx.msk $0xffff, v29  }
0x333: {  	v29 =	vld.idx.msk [tilespmem:v32+s19+$0x0], $0xffff;
	_ =	sdelay $0x1  }
0x334: {  	v31 =	vor.u32 v12, v30  }
0x335: {  	v32 =	vor.u32 v26, v22;
	_ =	sdelay $0x2  }
0x336: {  	v29 =	vadd.f32 v29, v28;
	_ =	sdelay $0x1  }
0x337: {  	[tilespmem:v31+s25+$0x0] =	vst.idx.msk $0xffff, v29  }
0x338: {  	v29 =	vld.idx.msk [tilespmem:v32+s19+$0x0], $0xffff;
	_ =	sdelay $0x1  }
0x339: {  	v31 =	vor.u32 v13, v30  }
0x33a: {  	v32 =	vor.u32 v26, v23;
	_ =	sdelay $0x2  }
0x33b: {  	v29 =	vadd.f32 v29, v28;
	_ =	sdelay $0x1  }
0x33c: {  	[tilespmem:v31+s25+$0x0] =	vst.idx.msk $0xffff, v29  }
0x33d: {  	v29 =	vld.idx.msk [tilespmem:v32+s19+$0x0], $0xffff;
	_ =	sdelay $0x1  }
0x33e: {  	v31 =	vor.u32 v14, v30  }
0x33f: {  	v32 =	vor.u32 v26, v24;
	_ =	sdelay $0x2  }
0x340: {  	v29 =	vadd.f32 v29, v28;
	_ =	sdelay $0x1  }
0x341: {  	[tilespmem:v31+s25+$0x0] =	vst.idx.msk $0xffff, v29  }
0x342: {  	v29 =	vld.idx.msk [tilespmem:v32+s19+$0x0], $0xffff;
	_ =	sdelay $0x1  }
0x343: {  	v30 =	vor.u32 v15, v30;
	_ =	sdelay $0x1  }
0x344: {  	v31 =	vor.u32 v16, v27;
	v32 =	vor.u32 v27, v17;
	_ =	sdelay $0x1  }
0x345: {  	v28 =	vadd.f32 v29, v28;
	_ =	sdelay $0x1  }
0x346: {  	[tilespmem:v30+s25+$0x0] =	vst.idx.msk $0xffff, v28  }
0x347: {  	v28 =	vld.idx.msk [tilespmem:v31+s11+$0x0], $0xffff  }
0x348: {  	v30 =	vshll.u32 v27, $0x7;
	v29 =	vld.idx.msk [tilespmem:v32+s19+$0x0], $0xffff  }
0x349: {  	v31 =	vor.u32 v0, v30  }
0x34a: {  	v32 =	vor.u32 v27, v18;
	_ =	sdelay $0x3  }
0x34b: {  	v29 =	vadd.f32 v29, v28;
	_ =	sdelay $0x1  }
0x34c: {  	[tilespmem:v31+s25+$0x0] =	vst.idx.msk $0xffff, v29  }
0x34d: {  	v29 =	vld.idx.msk [tilespmem:v32+s19+$0x0], $0xffff  }
0x34e: {  	v31 =	vor.u32 v9, v30  }
0x34f: {  	v32 =	vor.u32 v27, v19;
	_ =	sdelay $0x3  }
0x350: {  	v29 =	vadd.f32 v29, v28;
	_ =	sdelay $0x1  }
0x351: {  	[tilespmem:v31+s25+$0x0] =	vst.idx.msk $0xffff, v29  }
0x352: {  	v29 =	vld.idx.msk [tilespmem:v32+s19+$0x0], $0xffff  }
0x353: {  	v31 =	vor.u32 v10, v30  }
0x354: {  	v32 =	vor.u32 v27, v20;
	_ =	sdelay $0x3  }
0x355: {  	v29 =	vadd.f32 v29, v28;
	_ =	sdelay $0x1  }
0x356: {  	[tilespmem:v31+s25+$0x0] =	vst.idx.msk $0xffff, v29  }
0x357: {  	v29 =	vld.idx.msk [tilespmem:v32+s19+$0x0], $0xffff  }
0x358: {  	v31 =	vor.u32 v11, v30  }
0x359: {  	v32 =	vor.u32 v27, v21;
	_ =	sdelay $0x3  }
0x35a: {  	v29 =	vadd.f32 v29, v28;
	_ =	sdelay $0x1  }
0x35b: {  	[tilespmem:v31+s25+$0x0] =	vst.idx.msk $0xffff, v29  }
0x35c: {  	v29 =	vld.idx.msk [tilespmem:v32+s19+$0x0], $0xffff  }
0x35d: {  	v31 =	vor.u32 v12, v30  }
0x35e: {  	v32 =	vor.u32 v27, v22;
	_ =	sdelay $0x3  }
0x35f: {  	v29 =	vadd.f32 v29, v28;
	_ =	sdelay $0x1  }
0x360: {  	[tilespmem:v31+s25+$0x0] =	vst.idx.msk $0xffff, v29  }
0x361: {  	v29 =	vld.idx.msk [tilespmem:v32+s19+$0x0], $0xffff  }
0x362: {  	v31 =	vor.u32 v13, v30  }
0x363: {  	v32 =	vor.u32 v27, v23;
	_ =	sdelay $0x3  }
0x364: {  	v29 =	vadd.f32 v29, v28;
	_ =	sdelay $0x1  }
0x365: {  	[tilespmem:v31+s25+$0x0] =	vst.idx.msk $0xffff, v29  }
0x366: {  	v29 =	vld.idx.msk [tilespmem:v32+s19+$0x0], $0xffff  }
0x367: {  	v31 =	vor.u32 v14, v30  }
0x368: {  	v27 =	vor.u32 v27, v24;
	_ =	sdelay $0x3  }
0x369: {  	v29 =	vadd.f32 v29, v28;
	_ =	sdelay $0x1  }
0x36a: {  	[tilespmem:v31+s25+$0x0] =	vst.idx.msk $0xffff, v29  }
0x36b: {  	v27 =	vld.idx.msk [tilespmem:v27+s19+$0x0], $0xffff  }
0x36c: {  	v29 =	vor.u32 v15, v30;
	_ =	sdelay $0x1  }
0x36d: {  	v26 =	vor.u32 $0x20, v26  }
0x36e: {  	v32 =	vshll.u32 v26, $0x7;
	v30 =	vor.u32 v16, v26;
	v31 =	vor.u32 v26, v17;
	_ =	sdelay $0x1  }
0x36f: {  	v27 =	vadd.f32 v27, v28;
	_ =	sdelay $0x1  }
0x370: {  	[tilespmem:v29+s25+$0x0] =	vst.idx.msk $0xffff, v27  }
0x371: {  	v27 =	vld.idx.msk [tilespmem:v30+s11+$0x0], $0xffff  }
0x372: {  	v29 =	vor.u32 v0, v32;
	v28 =	vld.idx.msk [tilespmem:v31+s19+$0x0], $0xffff  }
0x373: {  	v30 =	vor.u32 v26, v18;
	_ =	sdelay $0x4  }
0x374: {  	v28 =	vadd.f32 v28, v27;
	_ =	sdelay $0x1  }
0x375: {  	[tilespmem:v29+s25+$0x0] =	vst.idx.msk $0xffff, v28  }
0x376: {  	v29 =	vor.u32 v9, v32;
	v28 =	vld.idx.msk [tilespmem:v30+s19+$0x0], $0xffff  }
0x377: {  	v30 =	vor.u32 v26, v19;
	_ =	sdelay $0x4  }
0x378: {  	v28 =	vadd.f32 v28, v27;
	_ =	sdelay $0x1  }
0x379: {  	[tilespmem:v29+s25+$0x0] =	vst.idx.msk $0xffff, v28  }
0x37a: {  	v29 =	vor.u32 v10, v32;
	v28 =	vld.idx.msk [tilespmem:v30+s19+$0x0], $0xffff  }
0x37b: {  	v30 =	vor.u32 v26, v20;
	_ =	sdelay $0x4  }
0x37c: {  	v28 =	vadd.f32 v28, v27;
	_ =	sdelay $0x1  }
0x37d: {  	[tilespmem:v29+s25+$0x0] =	vst.idx.msk $0xffff, v28  }
0x37e: {  	v29 =	vor.u32 v11, v32;
	v28 =	vld.idx.msk [tilespmem:v30+s19+$0x0], $0xffff  }
0x37f: {  	v30 =	vor.u32 v26, v21;
	_ =	sdelay $0x4  }
0x380: {  	v28 =	vadd.f32 v28, v27;
	_ =	sdelay $0x1  }
0x381: {  	[tilespmem:v29+s25+$0x0] =	vst.idx.msk $0xffff, v28  }
0x382: {  	v29 =	vor.u32 v12, v32;
	v28 =	vld.idx.msk [tilespmem:v30+s19+$0x0], $0xffff  }
0x383: {  	v30 =	vor.u32 v26, v22;
	_ =	sdelay $0x4  }
0x384: {  	v28 =	vadd.f32 v28, v27;
	_ =	sdelay $0x1  }
0x385: {  	[tilespmem:v29+s25+$0x0] =	vst.idx.msk $0xffff, v28  }
0x386: {  	v29 =	vor.u32 v13, v32;
	v28 =	vld.idx.msk [tilespmem:v30+s19+$0x0], $0xffff  }
0x387: {  	v30 =	vor.u32 v26, v23;
	_ =	sdelay $0x4  }
0x388: {  	v28 =	vadd.f32 v28, v27;
	_ =	sdelay $0x1  }
0x389: {  	[tilespmem:v29+s25+$0x0] =	vst.idx.msk $0xffff, v28  }
0x38a: {  	v29 =	vor.u32 v14, v32;
	v28 =	vld.idx.msk [tilespmem:v30+s19+$0x0], $0xffff  }
0x38b: {  	v26 =	vor.u32 v26, v24;
	_ =	sdelay $0x4  }
0x38c: {  	v28 =	vadd.f32 v28, v27;
	_ =	sdelay $0x1  }
0x38d: {  	[tilespmem:v29+s25+$0x0] =	vst.idx.msk $0xffff, v28  }
0x38e: {  	v28 =	vor.u32 v15, v32;
	v26 =	vld.idx.msk [tilespmem:v26+s19+$0x0], $0xffff;
	_ =	sdelay $0x3  }
0x38f: {  	v30 =	vor.u32 v25, v17;
	v29 =	vor.u32 v16, v25;
	_ =	sdelay $0x1  }
0x390: {  	v26 =	vadd.f32 v26, v27;
	_ =	sdelay $0x1  }
0x391: {  	[tilespmem:v28+s25+$0x0] =	vst.idx.msk $0xffff, v26;
	v26 =	vshll.u32 v25, $0x7  }
0x392: {  	v28 =	vld.idx.msk [tilespmem:v29+s11+$0x0], $0xffff;
	v27 =	vor.u32 v0, v26  }
0x393: {  	v29 =	vld.idx.msk [tilespmem:v30+s19+$0x0], $0xffff;
	v30 =	vor.u32 v25, v18;
	_ =	sdelay $0x5  }
0x394: {  	v29 =	vadd.f32 v29, v28;
	_ =	sdelay $0x1  }
0x395: {  	[tilespmem:v27+s25+$0x0] =	vst.idx.msk $0xffff, v29;
	v27 =	vor.u32 v9, v26  }
0x396: {  	v29 =	vld.idx.msk [tilespmem:v30+s19+$0x0], $0xffff;
	v30 =	vor.u32 v25, v19;
	_ =	sdelay $0x5  }
0x397: {  	v29 =	vadd.f32 v29, v28;
	_ =	sdelay $0x1  }
0x398: {  	[tilespmem:v27+s25+$0x0] =	vst.idx.msk $0xffff, v29;
	v27 =	vor.u32 v10, v26  }
0x399: {  	v29 =	vld.idx.msk [tilespmem:v30+s19+$0x0], $0xffff;
	v30 =	vor.u32 v25, v20;
	_ =	sdelay $0x5  }
0x39a: {  	v29 =	vadd.f32 v29, v28;
	_ =	sdelay $0x1  }
0x39b: {  	[tilespmem:v27+s25+$0x0] =	vst.idx.msk $0xffff, v29;
	v27 =	vor.u32 v11, v26  }
0x39c: {  	v29 =	vld.idx.msk [tilespmem:v30+s19+$0x0], $0xffff;
	v30 =	vor.u32 v25, v21;
	_ =	sdelay $0x5  }
0x39d: {  	v29 =	vadd.f32 v29, v28;
	_ =	sdelay $0x1  }
0x39e: {  	[tilespmem:v27+s25+$0x0] =	vst.idx.msk $0xffff, v29;
	v27 =	vor.u32 v12, v26  }
0x39f: {  	v29 =	vld.idx.msk [tilespmem:v30+s19+$0x0], $0xffff;
	v30 =	vor.u32 v25, v22;
	_ =	sdelay $0x5  }
0x3a0: {  	v29 =	vadd.f32 v29, v28;
	_ =	sdelay $0x1  }
0x3a1: {  	[tilespmem:v27+s25+$0x0] =	vst.idx.msk $0xffff, v29;
	v27 =	vor.u32 v13, v26  }
0x3a2: {  	v29 =	vld.idx.msk [tilespmem:v30+s19+$0x0], $0xffff;
	v30 =	vor.u32 v25, v23;
	_ =	sdelay $0x5  }
0x3a3: {  	v29 =	vadd.f32 v29, v28;
	_ =	sdelay $0x1  }
0x3a4: {  	[tilespmem:v27+s25+$0x0] =	vst.idx.msk $0xffff, v29;
	v27 =	vor.u32 v14, v26  }
0x3a5: {  	v25 =	vor.u32 v25, v24;
	v29 =	vld.idx.msk [tilespmem:v30+s19+$0x0], $0xffff;
	_ =	sdelay $0x5  }
0x3a6: {  	v29 =	vadd.f32 v29, v28;
	_ =	sdelay $0x1  }
.Ltmp3:
0x3a7: {  	[tilespmem:v27+s25+$0x0] =	vst.idx.msk $0xffff, v29;
	v29 =	vor.u32 v15, v26;
	(pc) =	sbr.rel @p0 .LBB2_8-.Ltmp3, $3  }
0x3a8: {  	v30 =	vld.idx.msk [tilespmem:v25+s19+$0x0], $0xffff;
	_ =	sdelay $0x1  }
0x3a9: {  	v25 =	vadd.s32 s2, v0  }
0x3aa: {  	v26 =	vand.u32 $0xF, v25;
	v27 =	vor.u32 $0x10, v25;
	v25 =	vor.u32 $0x30, v25  }
0x3ab: {  	v31 =	vor.u32 v16, v26  }
0x3ac: {  	v32 =	vor.u32 v26, v17  }
0x3ad: {  	v28 =	vadd.f32 v30, v28;
	_ =	sdelay $0x1  }
0x3ae: {  	[tilespmem:v29+s25+$0x0] =	vst.idx.msk $0xffff, v28  }
0x3af: {  	v28 =	vld.idx.msk [tilespmem:v31+s11+$0x0], $0xffff  }
0x3b0: {  	v29 =	vld.idx.msk [tilespmem:v32+s19+$0x0], $0xffff  }
0x3b1: {  	v54 =	vshll.u32 v26, $0x7  }
0x3b2: {  	v55 =	vor.u32 v0, v54  }
0x3b3: {  	v56 =	vor.u32 v26, v18;
	_ =	sdelay $0x1  }
0x3b4: {  	v29 =	vadd.f32 v29, v28;
	_ =	sdelay $0x1  }
0x3b5: {  	[tilespmem:v55+s25+$0x0] =	vst.idx.msk $0xffff, v29  }
0x3b6: {  	v29 =	vld.idx.msk [tilespmem:v56+s19+$0x0], $0xffff;
	_ =	sdelay $0x1  }
0x3b7: {  	v57 =	vor.u32 v9, v54  }
0x3b8: {  	v58 =	vor.u32 v26, v19;
	_ =	sdelay $0x1  }
0x3b9: {  	v29 =	vadd.f32 v29, v28;
	_ =	sdelay $0x1  }
0x3ba: {  	[tilespmem:v57+s25+$0x0] =	vst.idx.msk $0xffff, v29  }
0x3bb: {  	v29 =	vld.idx.msk [tilespmem:v58+s19+$0x0], $0xffff;
	_ =	sdelay $0x1  }
0x3bc: {  	v59 =	vor.u32 v10, v54  }
0x3bd: {  	v60 =	vor.u32 v26, v20;
	_ =	sdelay $0x1  }
0x3be: {  	v29 =	vadd.f32 v29, v28;
	_ =	sdelay $0x1  }
0x3bf: {  	[tilespmem:v59+s25+$0x0] =	vst.idx.msk $0xffff, v29  }
0x3c0: {  	v29 =	vld.idx.msk [tilespmem:v60+s19+$0x0], $0xffff;
	_ =	sdelay $0x1  }
0x3c1: {  	v61 =	vor.u32 v11, v54  }
0x3c2: {  	v62 =	vor.u32 v26, v21;
	_ =	sdelay $0x1  }
0x3c3: {  	v29 =	vadd.f32 v29, v28;
	_ =	sdelay $0x1  }
0x3c4: {  	[tilespmem:v61+s25+$0x0] =	vst.idx.msk $0xffff, v29  }
0x3c5: {  	v29 =	vld.idx.msk [tilespmem:v62+s19+$0x0], $0xffff;
	_ =	sdelay $0x1  }
0x3c6: {  	v63 =	vor.u32 v12, v54  }
0x3c7: {  	v36 =	vor.u32 v26, v22;
	_ =	sdelay $0x1  }
0x3c8: {  	v29 =	vadd.f32 v29, v28;
	_ =	sdelay $0x1  }
0x3c9: {  	[tilespmem:v63+s25+$0x0] =	vst.idx.msk $0xffff, v29  }
0x3ca: {  	v29 =	vld.idx.msk [tilespmem:v36+s19+$0x0], $0xffff;
	_ =	sdelay $0x1  }
0x3cb: {  	v37 =	vor.u32 v13, v54  }
0x3cc: {  	v38 =	vor.u32 v26, v23;
	_ =	sdelay $0x1  }
0x3cd: {  	v29 =	vadd.f32 v29, v28;
	_ =	sdelay $0x1  }
0x3ce: {  	[tilespmem:v37+s25+$0x0] =	vst.idx.msk $0xffff, v29  }
0x3cf: {  	v29 =	vld.idx.msk [tilespmem:v38+s19+$0x0], $0xffff;
	_ =	sdelay $0x1  }
0x3d0: {  	v39 =	vor.u32 v14, v54  }
0x3d1: {  	v40 =	vor.u32 v26, v24;
	_ =	sdelay $0x1  }
0x3d2: {  	v29 =	vadd.f32 v29, v28;
	_ =	sdelay $0x1  }
0x3d3: {  	[tilespmem:v39+s25+$0x0] =	vst.idx.msk $0xffff, v29  }
0x3d4: {  	v29 =	vld.idx.msk [tilespmem:v40+s19+$0x0], $0xffff;
	_ =	sdelay $0x1  }
0x3d5: {  	v30 =	vor.u32 v15, v54  }
0x3d6: {  	v41 =	vor.u32 v16, v27  }
0x3d7: {  	v42 =	vor.u32 v27, v17  }
0x3d8: {  	v28 =	vadd.f32 v29, v28;
	_ =	sdelay $0x1  }
0x3d9: {  	[tilespmem:v30+s25+$0x0] =	vst.idx.msk $0xffff, v28  }
0x3da: {  	v28 =	vld.idx.msk [tilespmem:v41+s11+$0x0], $0xffff  }
0x3db: {  	v43 =	vld.idx.msk [tilespmem:v42+s19+$0x0], $0xffff  }
0x3dc: {  	v44 =	vshll.u32 v27, $0x7  }
0x3dd: {  	v45 =	vor.u32 v0, v44  }
0x3de: {  	v46 =	vor.u32 v27, v18;
	_ =	sdelay $0x1  }
0x3df: {  	v29 =	vadd.f32 v43, v28;
	_ =	sdelay $0x1  }
0x3e0: {  	[tilespmem:v45+s25+$0x0] =	vst.idx.msk $0xffff, v29  }
0x3e1: {  	v29 =	vld.idx.msk [tilespmem:v46+s19+$0x0], $0xffff;
	_ =	sdelay $0x1  }
0x3e2: {  	v47 =	vor.u32 v9, v44  }
0x3e3: {  	v48 =	vor.u32 v27, v19;
	_ =	sdelay $0x1  }
0x3e4: {  	v29 =	vadd.f32 v29, v28;
	_ =	sdelay $0x1  }
0x3e5: {  	[tilespmem:v47+s25+$0x0] =	vst.idx.msk $0xffff, v29  }
0x3e6: {  	v29 =	vld.idx.msk [tilespmem:v48+s19+$0x0], $0xffff;
	_ =	sdelay $0x1  }
0x3e7: {  	v49 =	vor.u32 v10, v44  }
0x3e8: {  	v50 =	vor.u32 v27, v20;
	_ =	sdelay $0x1  }
0x3e9: {  	v29 =	vadd.f32 v29, v28;
	_ =	sdelay $0x1  }
0x3ea: {  	[tilespmem:v49+s25+$0x0] =	vst.idx.msk $0xffff, v29  }
0x3eb: {  	v29 =	vld.idx.msk [tilespmem:v50+s19+$0x0], $0xffff;
	_ =	sdelay $0x1  }
0x3ec: {  	v51 =	vor.u32 v11, v44  }
0x3ed: {  	v52 =	vor.u32 v27, v21;
	_ =	sdelay $0x1  }
0x3ee: {  	v29 =	vadd.f32 v29, v28;
	_ =	sdelay $0x1  }
0x3ef: {  	[tilespmem:v51+s25+$0x0] =	vst.idx.msk $0xffff, v29  }
0x3f0: {  	v29 =	vld.idx.msk [tilespmem:v52+s19+$0x0], $0xffff;
	_ =	sdelay $0x1  }
0x3f1: {  	v53 =	vor.u32 v12, v44  }
0x3f2: {  	v54 =	vor.u32 v27, v22;
	_ =	sdelay $0x1  }
0x3f3: {  	v29 =	vadd.f32 v29, v28;
	_ =	sdelay $0x1  }
0x3f4: {  	[tilespmem:v53+s25+$0x0] =	vst.idx.msk $0xffff, v29  }
0x3f5: {  	v29 =	vld.idx.msk [tilespmem:v54+s19+$0x0], $0xffff;
	_ =	sdelay $0x1  }
0x3f6: {  	v55 =	vor.u32 v13, v44  }
0x3f7: {  	v56 =	vor.u32 v27, v23;
	_ =	sdelay $0x1  }
0x3f8: {  	v29 =	vadd.f32 v29, v28;
	_ =	sdelay $0x1  }
0x3f9: {  	[tilespmem:v55+s25+$0x0] =	vst.idx.msk $0xffff, v29  }
0x3fa: {  	v29 =	vld.idx.msk [tilespmem:v56+s19+$0x0], $0xffff;
	_ =	sdelay $0x1  }
0x3fb: {  	v57 =	vor.u32 v14, v44  }
0x3fc: {  	v58 =	vor.u32 v27, v24;
	_ =	sdelay $0x1  }
0x3fd: {  	v29 =	vadd.f32 v29, v28;
	_ =	sdelay $0x1  }
0x3fe: {  	[tilespmem:v57+s25+$0x0] =	vst.idx.msk $0xffff, v29  }
0x3ff: {  	v27 =	vld.idx.msk [tilespmem:v58+s19+$0x0], $0xffff;
	_ =	sdelay $0x1  }
0x400: {  	v59 =	vor.u32 v15, v44;
	v60 =	vor.u32 $0x20, v26  }
0x401: {  	v61 =	vor.u32 v16, v60  }
0x402: {  	v62 =	vor.u32 v60, v17  }
0x403: {  	v27 =	vadd.f32 v27, v28;
	_ =	sdelay $0x1  }
0x404: {  	[tilespmem:v59+s25+$0x0] =	vst.idx.msk $0xffff, v27  }
0x405: {  	v27 =	vld.idx.msk [tilespmem:v61+s11+$0x0], $0xffff  }
0x406: {  	v63 =	vld.idx.msk [tilespmem:v62+s19+$0x0], $0xffff  }
0x407: {  	v33 =	vshll.u32 v60, $0x7  }
0x408: {  	v34 =	vor.u32 v0, v33  }
0x409: {  	v35 =	vor.u32 v60, v18;
	_ =	sdelay $0x1  }
0x40a: {  	v28 =	vadd.f32 v63, v27;
	_ =	sdelay $0x1  }
0x40b: {  	[tilespmem:v34+s25+$0x0] =	vst.idx.msk $0xffff, v28  }
0x40c: {  	v28 =	vld.idx.msk [tilespmem:v35+s19+$0x0], $0xffff;
	_ =	sdelay $0x1  }
0x40d: {  	v36 =	vor.u32 v9, v33  }
0x40e: {  	v37 =	vor.u32 v60, v19;
	_ =	sdelay $0x1  }
0x40f: {  	v28 =	vadd.f32 v28, v27;
	_ =	sdelay $0x1  }
0x410: {  	[tilespmem:v36+s25+$0x0] =	vst.idx.msk $0xffff, v28  }
0x411: {  	v28 =	vld.idx.msk [tilespmem:v37+s19+$0x0], $0xffff;
	_ =	sdelay $0x1  }
0x412: {  	v38 =	vor.u32 v10, v33  }
0x413: {  	v39 =	vor.u32 v60, v20;
	_ =	sdelay $0x1  }
0x414: {  	v28 =	vadd.f32 v28, v27;
	_ =	sdelay $0x1  }
0x415: {  	[tilespmem:v38+s25+$0x0] =	vst.idx.msk $0xffff, v28  }
0x416: {  	v28 =	vld.idx.msk [tilespmem:v39+s19+$0x0], $0xffff;
	_ =	sdelay $0x1  }
0x417: {  	v40 =	vor.u32 v11, v33  }
0x418: {  	v41 =	vor.u32 v60, v21;
	_ =	sdelay $0x1  }
0x419: {  	v28 =	vadd.f32 v28, v27;
	_ =	sdelay $0x1  }
0x41a: {  	[tilespmem:v40+s25+$0x0] =	vst.idx.msk $0xffff, v28  }
0x41b: {  	v28 =	vld.idx.msk [tilespmem:v41+s19+$0x0], $0xffff;
	_ =	sdelay $0x1  }
0x41c: {  	v42 =	vor.u32 v12, v33  }
0x41d: {  	v43 =	vor.u32 v60, v22;
	_ =	sdelay $0x1  }
0x41e: {  	v28 =	vadd.f32 v28, v27;
	_ =	sdelay $0x1  }
0x41f: {  	[tilespmem:v42+s25+$0x0] =	vst.idx.msk $0xffff, v28  }
0x420: {  	v28 =	vld.idx.msk [tilespmem:v43+s19+$0x0], $0xffff;
	_ =	sdelay $0x1  }
0x421: {  	v44 =	vor.u32 v13, v33  }
0x422: {  	v45 =	vor.u32 v60, v23;
	_ =	sdelay $0x1  }
0x423: {  	v28 =	vadd.f32 v28, v27;
	_ =	sdelay $0x1  }
0x424: {  	[tilespmem:v44+s25+$0x0] =	vst.idx.msk $0xffff, v28  }
0x425: {  	v28 =	vld.idx.msk [tilespmem:v45+s19+$0x0], $0xffff;
	_ =	sdelay $0x1  }
0x426: {  	v46 =	vor.u32 v14, v33  }
0x427: {  	v26 =	vor.u32 v60, v24;
	_ =	sdelay $0x1  }
0x428: {  	v28 =	vadd.f32 v28, v27;
	_ =	sdelay $0x1  }
0x429: {  	[tilespmem:v46+s25+$0x0] =	vst.idx.msk $0xffff, v28  }
0x42a: {  	v26 =	vld.idx.msk [tilespmem:v26+s19+$0x0], $0xffff;
	_ =	sdelay $0x1  }
0x42b: {  	v47 =	vor.u32 v15, v33  }
0x42c: {  	v16 =	vor.u32 v16, v25  }
0x42d: {  	v17 =	vor.u32 v25, v17  }
0x42e: {  	v26 =	vadd.f32 v26, v27;
	_ =	sdelay $0x1  }
0x42f: {  	[tilespmem:v47+s25+$0x0] =	vst.idx.msk $0xffff, v26  }
0x430: {  	v16 =	vld.idx.msk [tilespmem:v16+s11+$0x0], $0xffff  }
0x431: {  	v17 =	vld.idx.msk [tilespmem:v17+s19+$0x0], $0xffff  }
0x432: {  	v48 =	vshll.u32 v25, $0x7  }
0x433: {  	v49 =	vor.u32 v0, v48  }
0x434: {  	v50 =	vor.u32 v25, v18;
	_ =	sdelay $0x1  }
0x435: {  	v17 =	vadd.f32 v17, v16;
	_ =	sdelay $0x1  }
0x436: {  	[tilespmem:v49+s25+$0x0] =	vst.idx.msk $0xffff, v17  }
0x437: {  	v17 =	vld.idx.msk [tilespmem:v50+s19+$0x0], $0xffff;
	_ =	sdelay $0x1  }
0x438: {  	v51 =	vor.u32 v9, v48  }
0x439: {  	v52 =	vor.u32 v25, v19;
	_ =	sdelay $0x1  }
0x43a: {  	v17 =	vadd.f32 v17, v16;
	_ =	sdelay $0x1  }
0x43b: {  	[tilespmem:v51+s25+$0x0] =	vst.idx.msk $0xffff, v17  }
0x43c: {  	v17 =	vld.idx.msk [tilespmem:v52+s19+$0x0], $0xffff;
	_ =	sdelay $0x1  }
0x43d: {  	v53 =	vor.u32 v10, v48  }
0x43e: {  	v54 =	vor.u32 v25, v20;
	_ =	sdelay $0x1  }
0x43f: {  	v17 =	vadd.f32 v17, v16;
	_ =	sdelay $0x1  }
0x440: {  	[tilespmem:v53+s25+$0x0] =	vst.idx.msk $0xffff, v17  }
0x441: {  	v17 =	vld.idx.msk [tilespmem:v54+s19+$0x0], $0xffff;
	_ =	sdelay $0x1  }
0x442: {  	v55 =	vor.u32 v11, v48  }
0x443: {  	v56 =	vor.u32 v25, v21;
	_ =	sdelay $0x1  }
0x444: {  	v17 =	vadd.f32 v17, v16;
	_ =	sdelay $0x1  }
0x445: {  	[tilespmem:v55+s25+$0x0] =	vst.idx.msk $0xffff, v17  }
0x446: {  	v17 =	vld.idx.msk [tilespmem:v56+s19+$0x0], $0xffff;
	_ =	sdelay $0x1  }
0x447: {  	v57 =	vor.u32 v12, v48  }
0x448: {  	v58 =	vor.u32 v25, v22;
	_ =	sdelay $0x1  }
0x449: {  	v17 =	vadd.f32 v17, v16;
	_ =	sdelay $0x1  }
0x44a: {  	[tilespmem:v57+s25+$0x0] =	vst.idx.msk $0xffff, v17  }
0x44b: {  	v17 =	vld.idx.msk [tilespmem:v58+s19+$0x0], $0xffff;
	_ =	sdelay $0x1  }
0x44c: {  	v59 =	vor.u32 v13, v48  }
0x44d: {  	v60 =	vor.u32 v25, v23;
	_ =	sdelay $0x1  }
0x44e: {  	v17 =	vadd.f32 v17, v16;
	_ =	sdelay $0x1  }
0x44f: {  	[tilespmem:v59+s25+$0x0] =	vst.idx.msk $0xffff, v17  }
0x450: {  	v17 =	vld.idx.msk [tilespmem:v60+s19+$0x0], $0xffff;
	_ =	sdelay $0x1  }
0x451: {  	v61 =	vor.u32 v14, v48  }
0x452: {  	v62 =	vor.u32 v25, v24;
	_ =	sdelay $0x1  }
0x453: {  	v17 =	vadd.f32 v17, v16;
	_ =	sdelay $0x1  }
0x454: {  	[tilespmem:v61+s25+$0x0] =	vst.idx.msk $0xffff, v17  }
0x455: {  	v17 =	vld.idx.msk [tilespmem:v62+s19+$0x0], $0xffff;
	_ =	sdelay $0x1  }
0x456: {  	s30 =	sadd.s32 $0x1, s30;
	v63 =	vor.u32 v15, v48  }
0x457: {  	p0 =	sne.s32 s30, $0x64  }
.Ltmp4:
0x458: {  	s0 =	sshll.u32 s31, $0x12;
	(pc) =	sbr.rel @p0 .LBB2_2-.Ltmp4, $4  }
0x459: {  	s0 =	sor.u32 s5, s0;
	v16 =	vadd.f32 v17, v16  }
0x45a: {  	s0 =	sshrl.u32 s0, $0x3  }
0x45b: {  	s0 =	sadd.s32 s3, s0;
	[tilespmem:v63+s25+$0x0] =	vst.idx.msk $0xffff, v16  }
0x45c: {  	[hbm4b:s0+s22] =	stream.strided.scatter [tilespmem:s25], [sflag:$0x6], $0x2000, s23, s22, $0x38;
	[tilespmem:$0x12600] =	vst v63  }
0x45d: {  	s29 =	sadd.s32 $0x1, s29  }
0x45e: {  	_ =	swait.ge [sflag:s26], $0x2000;
	p0 =	sne.s32 s29, s10  }
.Ltmp5:
0x45f: {  	[sflag:s26] =	ssyncset.done $0x0;
	(pc) =	sbr.rel @p0 .LBB2_1-.Ltmp5, $4  }
0x460: {  	[sflag:s26] =	ssyncadd.s32 $0xFFFFE000  }
0x461: {  	_ =	swait.ge [sflag:s28], $0x2000  }
0x462: {  	[sflag:s28] =	ssyncset.done $0x0  }
0x463: {  	[sflag:s28] =	ssyncadd.s32 $0xFFFFE000  }
0x464: {  	_ =	sfence.sel $0x180000  }
0x465: {  	[bflag:$0x0] =	sbarrier.arrive $0xFFFF  }
0x466: {  	_ =	strace $0x90000047  }
0x467: {  	s0 =	stileid.u32;
	[bflag:$0x2] =	sbarrier.arrive $0xFFFF  }
0x468: {  	p0 =	sne.s32 s0, $0x0;
	s0 =	rddreg [dreg:$0x3]  }
0x469: {  	s0 =	sadd.s32 @!p0 $0x100000, s0  }
0x46a: {  	[sflag:s0] =	ssyncadd.tile.s32 @!p0 $0x1;
	_ =	shalt  }
.Lfunc_end2:
_tile_overlayer_lowered:
.L_overlay_start_2:
0x46b: {  	(tag) =	ssettag $0x2  }
0x46c: {  	s0 =	rddreg [dreg:$0x0];
	s2 =	stileid.u32  }
0x46d: {  	s1 =	rddreg [dreg:$0x1];
	p0 =	sne.s32 s2, $0x0  }
0x46e: {  	s3 =	rddreg [dreg:$0x2];
	[bflag:$0x3] =	sbarrier.arrive $0xFFFF;
	s2 =	simm.s32 @!p0 $0x1C07  }
0x46f: {  	[timem:s3], [sflag:s2] =	dma.local @!p0 [hbm:s0], s1  }
0x470: {  	s0 =	simm.s32 @!p0 $0x7  }
0x471: {  	_ =	swait.ge @!p0 [sflag:s0], s1  }
0x472: {  	s1 =	ssub.s32 @!p0 $0x0, s1;
	[sflag:s0] =	ssyncset.done @!p0 $0x0  }
0x473: {  	[sflag:s0] =	ssyncadd.s32 @!p0 s1  }
0x474: {  	[bflag:$0x3] =	sbarrier.arrive $0xFFFF  }
0x475: {  	_ =	shalt  }

</sc_bundles>
